<compile_context>
chip_gen: v7x
topology: tpu7x:2x2x1
jax: 0.10.2.dev20260603
libtpu: 0.0.44.dev20260713+nightly
codegen_flags: <defaults>
</compile_context>

<pallas_src>
import functools

import jax
import jax.numpy as jnp
from jax import lax
from jax.experimental import pallas as pl
from jax.experimental.pallas import tpu as pltpu
from jax.experimental.pallas import tpu_sc as plsc

N = 10000
NPAD = 10240
E = 320000
F = 16
K = 10
NS = 16
EPT = 20480
CH = 256
GRP = 2
NSETS = 4
NITER = EPT // (CH * GRP * NSETS)
ROWS = NPAD // NS
WROWS = 640
WPAD = NS * WROWS
ZR = 160
EPAD = NS * EPT


def _mlp_body(x_ref, w1_ref, b1_ref, w2_ref, b2_ref, o_ref):
    h = jnp.dot(x_ref[...], w1_ref[...], preferred_element_type=jnp.float32)
    h = jnp.maximum(h + b1_ref[...], 0.0)
    o_ref[...] = (
        jnp.dot(h, w2_ref[...], preferred_element_type=jnp.float32) + b2_ref[...]
    )


def _mlp(xpad, W1, b1, W2, b2):
    blocks = 8
    br = NPAD // blocks
    return pl.pallas_call(
        _mlp_body,
        grid=(blocks,),
        in_specs=[
            pl.BlockSpec((br, 128), lambda i: (i, 0)),
            pl.BlockSpec((128, 64), lambda i: (0, 0)),
            pl.BlockSpec((1, 64), lambda i: (0, 0)),
            pl.BlockSpec((64, F), lambda i: (0, 0)),
            pl.BlockSpec((1, F), lambda i: (0, 0)),
        ],
        out_specs=pl.BlockSpec((br, F), lambda i: (i, 0)),
        out_shape=jax.ShapeDtypeStruct((NPAD, F), jnp.float32),
    )(xpad, W1, b1.reshape(1, 64), W2, b2.reshape(1, F))


def _lsm_body(a_ref, o_ref):
    a = a_ref[...]
    m = jnp.max(a, axis=1, keepdims=True)
    e = jnp.exp(a - m)
    s = jnp.sum(e, axis=1, keepdims=True)
    o_ref[...] = a - m - jnp.log(s)


def _log_softmax(acc):
    blocks = 10
    br = N // blocks
    return pl.pallas_call(
        _lsm_body,
        grid=(blocks,),
        in_specs=[pl.BlockSpec((br, F), lambda i: (i, 0))],
        out_specs=pl.BlockSpec((br, F), lambda i: (i, 0)),
        out_shape=jax.ShapeDtypeStruct((N, F), jnp.float32),
    )(acc)


def _gpr_body(
    h_hbm, src_hbm, dst_hbm, tb_hbm, zn_hbm, zw_hbm, ones_hbm,
    acc_hbm, ubuf_hbm,
    w_sp, deg_sp,
    sbuf, dbuf, grow, tbv, onesv, znv, zwv, dinvv, dinvb, wv, uv, accv,
    gs0, gs1, gs2, gs3, ss0, ss1, ss2, ss3,
):
    s = lax.axis_index("s")
    base = s * ROWS
    wbase = s * WROWS

    pltpu.sync_copy(tb_hbm, tbv)
    pltpu.sync_copy(ones_hbm, onesv)
    pltpu.sync_copy(zn_hbm, znv)
    pltpu.sync_copy(zw_hbm, zwv)
    pltpu.sync_copy(src_hbm.at[s], sbuf)
    pltpu.sync_copy(dst_hbm.at[s], dbuf)
    pltpu.sync_copy(znv, deg_sp.at[pl.ds(wbase, WROWS)])
    plsc.subcore_barrier()

    def deg_grp(g, carry):
        for i in range(8):
            pltpu.async_copy(onesv, deg_sp.at[dbuf.at[g * 8 + i]], gs0, add=True)
        for i in range(8):
            pltpu.make_async_copy(onesv, deg_sp.at[pl.ds(0, CH)], gs0).wait()
        return carry
    lax.fori_loop(0, EPT // CH // 8, deg_grp, None)
    plsc.subcore_barrier()

    pltpu.sync_copy(deg_sp.at[pl.ds(base, ROWS)], dinvv)
    def newton(i, carry):
        x = dinvv[pl.ds(i * 16, 16)] + 1.0
        b = lax.bitcast_convert_type(x, jnp.int32)
        y = lax.bitcast_convert_type(
            jnp.int32(0x5F3759DF) - jnp.right_shift(b, 1), jnp.float32
        )
        for _ in range(3):
            y = y * (1.5 - 0.5 * x * y * y)
        dinvv[pl.ds(i * 16, 16)] = y
        return carry
    lax.fori_loop(0, ROWS // 16, newton, None)

    pltpu.sync_copy(h_hbm.at[pl.ds(base, ROWS)], wv)
    t0 = tbv[0]
    def initrow(r4, carry):
        for q in range(4):
            r = r4 * 4 + q
            dv = plsc.load_gather(dinvv, [jnp.full((16,), r, jnp.int32)])
            dinvb[r] = dv
            hrow = wv[r]
            uv[r] = dv * hrow
            accv[r] = t0 * hrow
        return carry
    lax.fori_loop(0, ROWS // 4, initrow, None)
    pltpu.sync_copy(uv, ubuf_hbm.at[pl.ds(base, ROWS)])
    plsc.subcore_barrier()

    def round_body(k, carry):
        for q in range(WROWS // ZR):
            pltpu.async_copy(zwv, w_sp.at[pl.ds(wbase + q * ZR, ZR)], gs0)
        for q in range(WROWS // ZR):
            pltpu.make_async_copy(zwv, w_sp.at[pl.ds(wbase + q * ZR, ZR)], gs0).wait()
        plsc.subcore_barrier()

        gsems = (gs0, gs1, gs2, gs3)
        ssems = (ss0, ss1, ss2, ss3)

        def gfire(j, b):
            for i in range(GRP):
                pltpu.async_copy(
                    ubuf_hbm.at[sbuf.at[j * GRP + i]], grow.at[b, i], gsems[b]
                )

        def gdrain(b):
            for i in range(GRP):
                pltpu.make_async_copy(
                    ubuf_hbm.at[pl.ds(0, CH)], grow.at[b, i], gsems[b]
                ).wait()

        def sfire(j, b):
            for i in range(GRP):
                pltpu.async_copy(
                    grow.at[b, i], w_sp.at[dbuf.at[j * GRP + i]], ssems[b],
                    add=True,
                )

        def sdrain(b):
            for i in range(GRP):
                pltpu.make_async_copy(
                    grow.at[b, i], w_sp.at[pl.ds(0, CH)], ssems[b]
                ).wait()

        for b in range(NSETS):
            gfire(b, b)

        def rot(it, c):
            j0 = it * NSETS
            for b in range(NSETS):
                gdrain(b)
                sfire(j0 + b, b)
            for b in range(NSETS):
                sdrain(b)
                @pl.when(it < NITER - 1)
                def _():
                    gfire(j0 + NSETS + b, b)
            return c
        lax.fori_loop(0, NITER, rot, None)
        plsc.subcore_barrier()

        pltpu.sync_copy(w_sp.at[pl.ds(base, ROWS)], wv)
        tk = tbv[k + 1]
        def noderow(r4, c):
            for q in range(4):
                r = r4 * 4 + q
                z = dinvb[r] * (wv[r] + uv[r])
                accv[r] = accv[r] + tk * z
                uv[r] = dinvb[r] * z
            return c
        lax.fori_loop(0, ROWS // 4, noderow, None)
        pltpu.sync_copy(uv, ubuf_hbm.at[pl.ds(base, ROWS)])
        plsc.subcore_barrier()
        return carry
    lax.fori_loop(0, K, round_body, None)

    pltpu.sync_copy(accv, acc_hbm.at[pl.ds(base, ROWS)])


def _gpr_sc(h, src3, dst3, tb, zn, zw, ones):
    mesh = plsc.VectorSubcoreMesh(
        core_axis_name="c", subcore_axis_name="s", num_cores=1
    )
    f = pl.kernel(
        _gpr_body,
        compiler_params=pltpu.CompilerParams(
            needs_layout_passes=False, use_tc_tiling_on_sc=False
        ),
        out_type=(
            jax.ShapeDtypeStruct((NPAD, F), jnp.float32),
            jax.ShapeDtypeStruct((NPAD, F), jnp.float32),
        ),
        mesh=mesh,
        scratch_types=[
            pltpu.VMEM_SHARED((WPAD, F), jnp.float32),
            pltpu.VMEM_SHARED((WPAD,), jnp.float32),
            pltpu.VMEM((EPT // CH, CH), jnp.int32),
            pltpu.VMEM((EPT // CH, CH), jnp.int32),
            pltpu.VMEM((NSETS, GRP, CH, F), jnp.float32),
            pltpu.VMEM((16, F), jnp.float32),
            pltpu.VMEM((CH,), jnp.float32),
            pltpu.VMEM((WROWS,), jnp.float32),
            pltpu.VMEM((ZR, F), jnp.float32),
            pltpu.VMEM((ROWS,), jnp.float32),
            pltpu.VMEM((ROWS, F), jnp.float32),
            pltpu.VMEM((ROWS, F), jnp.float32),
            pltpu.VMEM((ROWS, F), jnp.float32),
            pltpu.VMEM((ROWS, F), jnp.float32),
        ] + [pltpu.SemaphoreType.DMA] * 8,
    )
    return f(h, src3, dst3, tb, zn, zw, ones)


def kernel(x, edge_index, W1, b1, W2, b2, temp):
    xpad = jnp.pad(x.astype(jnp.float32), ((0, NPAD - N), (0, 0)))
    h = _mlp(xpad, W1, b1, W2, b2)

    src = edge_index[0].astype(jnp.int32)
    dst = edge_index[1].astype(jnp.int32)
    npad_e = EPAD - E
    pidx = jnp.arange(npad_e, dtype=jnp.int32)
    src3 = jnp.concatenate([src, pidx % N]).reshape(NS, EPT // CH, CH)
    dst3 = jnp.concatenate([dst, N + pidx % (NPAD - N)]).reshape(NS, EPT // CH, CH)

    tb = jnp.zeros((16, F), jnp.float32)
    tb = tb.at[: K + 1].set(jnp.broadcast_to(temp.astype(jnp.float32)[:, None], (K + 1, F)))
    zn = jnp.zeros((WROWS,), jnp.float32)
    zw = jnp.zeros((ZR, F), jnp.float32)
    ones = jnp.ones((CH,), jnp.float32)

    acc, _ = _gpr_sc(h, src3, dst3, tb, zn, zw, ones)
    return _log_softmax(acc)

# --- scband reference (transcript-rebuilt; emitter-appended) ---
"""Pipeline reference for scband-gprgnn-33603824124466 (READ-ONLY COPY).

The authoritative reference and input builder live on the scoring server;
editing this copy changes nothing except your own understanding.
"""

import jax, jax.numpy as jnp
import numpy as np

N_NODES = 10000
N_EDGES = 320000
IN_CH = 128
HIDDEN = 64
OUT_CH = 16
K = 10
ALPHA = 0.1

def setup_inputs(seed: int = 0) -> dict:
    key = jax.random.key(seed)
    k1, k2, k3, k4, k5, k6 = jax.random.split(key, 6)
    x = jax.random.normal(k1, (N_NODES, IN_CH), dtype=jnp.float32)
    edge_index = jax.random.randint(k2, (2, N_EDGES), 0, N_NODES, dtype=jnp.int64)
    # Linear layer params (Kaiming-uniform-ish init)
    W1 = jax.random.uniform(k3, (IN_CH, HIDDEN), dtype=jnp.float32, minval=-1.0, maxval=1.0) / np.sqrt(IN_CH)
    b1 = jax.random.uniform(k4, (HIDDEN,), dtype=jnp.float32, minval=-1.0, maxval=1.0) / np.sqrt(IN_CH)
    W2 = jax.random.uniform(k5, (HIDDEN, OUT_CH), dtype=jnp.float32, minval=-1.0, maxval=1.0) / np.sqrt(HIDDEN)
    b2 = jax.random.uniform(k6, (OUT_CH,), dtype=jnp.float32, minval=-1.0, maxval=1.0) / np.sqrt(HIDDEN)
    # GPR_prop PPR init: temp[k] = alpha*(1-alpha)^k for k<K, temp[K] = (1-alpha)^K
    temp = np.zeros(K + 1, dtype=np.float32)
    for k in range(K):
        temp[k] = ALPHA * (1.0 - ALPHA) ** k
    temp[K] = (1.0 - ALPHA) ** K
    temp = jnp.asarray(temp)
    return {"x": x, "edge_index": edge_index, "W1": W1, "b1": b1, "W2": W2, "b2": b2, "temp": temp}

def reference(x, edge_index, W1, b1, W2, b2, temp):
    # eval mode: dropout is identity
    h = jax.nn.relu(x @ W1 + b1)
    h = h @ W2 + b2
    N = h.shape[0]
    # gcn_norm with self loops: A_hat = D^-1/2 (A + I) D^-1/2
    loop = jnp.arange(N, dtype=edge_index.dtype)
    src = jnp.concatenate([edge_index[0], loop])
    dst = jnp.concatenate([edge_index[1], loop])
    deg = jnp.zeros((N,), dtype=h.dtype).at[dst].add(1.0)
    deg_inv_sqrt = jnp.where(deg > 0, jax.lax.rsqrt(jnp.maximum(deg, 1e-12)), 0.0)
    norm = deg_inv_sqrt[src] * deg_inv_sqrt[dst]
    # GPR propagation: hidden = sum_k temp[k] * A_hat^k h
    hidden = temp[0] * h
    z = h
    for k in range(K):
        z = jnp.zeros_like(z).at[dst].add(norm[:, None] * z[src])
        hidden = hidden + temp[k + 1] * z
    return jax.nn.log_softmax(hidden, axis=1)

if __name__ == "__main__":
    import jax
    _d = setup_inputs()
    print(jax.jit(kernel)(*tuple(_d.values())))

</pallas_src>

<mosaic_0001>
#map = affine_map<(d0, d1) -> (0, 0)>
#map1 = affine_map<(d0, d1) -> (0, 0, 0)>
#map2 = affine_map<(d0, d1) -> (0)>
module attributes {stable_mosaic.version = 14 : i64} {
  func.func @_gpr_body(%arg0: i32, %arg1: i32, %arg2: memref<10240x16xf32, #tpu.memory_space<hbm>>, %arg3: memref<16x80x256xi32, #tpu.memory_space<hbm>>, %arg4: memref<16x80x256xi32, #tpu.memory_space<hbm>>, %arg5: memref<16x16xf32, #tpu.memory_space<hbm>>, %arg6: memref<640xf32, #tpu.memory_space<hbm>>, %arg7: memref<160x16xf32, #tpu.memory_space<hbm>>, %arg8: memref<256xf32, #tpu.memory_space<hbm>>, %arg9: memref<10240x16xf32, #tpu.memory_space<hbm>>, %arg10: memref<10240x16xf32, #tpu.memory_space<hbm>>, %arg11: memref<10240x16xf32, #tpu.memory_space<vmem_shared>>, %arg12: memref<10240xf32, #tpu.memory_space<vmem_shared>>, %arg13: memref<80x256xi32, #tpu.memory_space<vmem>>, %arg14: memref<80x256xi32, #tpu.memory_space<vmem>>, %arg15: memref<4x2x256x16xf32, #tpu.memory_space<vmem>>, %arg16: memref<16x16xf32, #tpu.memory_space<vmem>>, %arg17: memref<256xf32, #tpu.memory_space<vmem>>, %arg18: memref<640xf32, #tpu.memory_space<vmem>>, %arg19: memref<160x16xf32, #tpu.memory_space<vmem>>, %arg20: memref<640xf32, #tpu.memory_space<vmem>>, %arg21: memref<640x16xf32, #tpu.memory_space<vmem>>, %arg22: memref<640x16xf32, #tpu.memory_space<vmem>>, %arg23: memref<640x16xf32, #tpu.memory_space<vmem>>, %arg24: memref<640x16xf32, #tpu.memory_space<vmem>>, %arg25: memref<!tpu.dma_semaphore, #tpu.memory_space<semaphore_mem>>, %arg26: memref<!tpu.dma_semaphore, #tpu.memory_space<semaphore_mem>>, %arg27: memref<!tpu.dma_semaphore, #tpu.memory_space<semaphore_mem>>, %arg28: memref<!tpu.dma_semaphore, #tpu.memory_space<semaphore_mem>>, %arg29: memref<!tpu.dma_semaphore, #tpu.memory_space<semaphore_mem>>, %arg30: memref<!tpu.dma_semaphore, #tpu.memory_space<semaphore_mem>>, %arg31: memref<!tpu.dma_semaphore, #tpu.memory_space<semaphore_mem>>, %arg32: memref<!tpu.dma_semaphore, #tpu.memory_space<semaphore_mem>>) attributes {dimension_semantics = [#tpu.dimension_semantics<core_parallel>, #tpu.dimension_semantics<subcore_parallel>], iteration_bounds = array<i64: 1, 16>, scalar_prefetch = 0 : i64, scratch_operands = 22 : i64, tpu.core_type = #tpu.core_type<sc_vector_subcore>, window_params = [{transform_indices = #map}, {transform_indices = #map1}, {transform_indices = #map1}, {transform_indices = #map}, {transform_indices = #map2}, {transform_indices = #map}, {transform_indices = #map2}, {transform_indices = #map}, {transform_indices = #map}]} {
    %mul3A = arith.constant 640 : i32
    %mul3A_0 = arith.muli %arg1, %mul3A : i32
    %mul3A_1 = arith.constant 640 : i32
    %mul3A_2 = arith.muli %arg1, %mul3A_1 : i32
    "tpu.region"() ({
      %run_scoped3A = tpu.sem_alloc : memref<!tpu.dma_semaphore, #tpu.memory_space<semaphore_mem>>
      tpu.enqueue_dma source(%arg5 : memref<16x16xf32, #tpu.memory_space<hbm>>) target(%arg16 : memref<16x16xf32, #tpu.memory_space<vmem>>) target_semaphore(%run_scoped3A : memref<!tpu.dma_semaphore, #tpu.memory_space<semaphore_mem>>)
      tpu.wait_dma2 semaphore(%run_scoped3A : memref<!tpu.dma_semaphore, #tpu.memory_space<semaphore_mem>>) src(%arg5 : memref<16x16xf32, #tpu.memory_space<hbm>>) dst(%arg16 : memref<16x16xf32, #tpu.memory_space<vmem>>)
      tpu.yield
    }) : () -> ()
    "tpu.region"() ({
      %run_scoped3A = tpu.sem_alloc : memref<!tpu.dma_semaphore, #tpu.memory_space<semaphore_mem>>
      tpu.enqueue_dma source(%arg8 : memref<256xf32, #tpu.memory_space<hbm>>) target(%arg17 : memref<256xf32, #tpu.memory_space<vmem>>) target_semaphore(%run_scoped3A : memref<!tpu.dma_semaphore, #tpu.memory_space<semaphore_mem>>)
      tpu.wait_dma2 semaphore(%run_scoped3A : memref<!tpu.dma_semaphore, #tpu.memory_space<semaphore_mem>>) src(%arg8 : memref<256xf32, #tpu.memory_space<hbm>>) dst(%arg17 : memref<256xf32, #tpu.memory_space<vmem>>)
      tpu.yield
    }) : () -> ()
    "tpu.region"() ({
      %run_scoped3A = tpu.sem_alloc : memref<!tpu.dma_semaphore, #tpu.memory_space<semaphore_mem>>
      tpu.enqueue_dma source(%arg6 : memref<640xf32, #tpu.memory_space<hbm>>) target(%arg18 : memref<640xf32, #tpu.memory_space<vmem>>) target_semaphore(%run_scoped3A : memref<!tpu.dma_semaphore, #tpu.memory_space<semaphore_mem>>)
      tpu.wait_dma2 semaphore(%run_scoped3A : memref<!tpu.dma_semaphore, #tpu.memory_space<semaphore_mem>>) src(%arg6 : memref<640xf32, #tpu.memory_space<hbm>>) dst(%arg18 : memref<640xf32, #tpu.memory_space<vmem>>)
      tpu.yield
    }) : () -> ()
    "tpu.region"() ({
      %run_scoped3A = tpu.sem_alloc : memref<!tpu.dma_semaphore, #tpu.memory_space<semaphore_mem>>
      tpu.enqueue_dma source(%arg7 : memref<160x16xf32, #tpu.memory_space<hbm>>) target(%arg19 : memref<160x16xf32, #tpu.memory_space<vmem>>) target_semaphore(%run_scoped3A : memref<!tpu.dma_semaphore, #tpu.memory_space<semaphore_mem>>)
      tpu.wait_dma2 semaphore(%run_scoped3A : memref<!tpu.dma_semaphore, #tpu.memory_space<semaphore_mem>>) src(%arg7 : memref<160x16xf32, #tpu.memory_space<hbm>>) dst(%arg19 : memref<160x16xf32, #tpu.memory_space<vmem>>)
      tpu.yield
    }) : () -> ()
    "tpu.region"() ({
      %run_scoped3A = tpu.sem_alloc : memref<!tpu.dma_semaphore, #tpu.memory_space<semaphore_mem>>
      %dma_start3A = arith.constant 0 : i32
      %dma_start3A_27 = arith.constant 0 : i32
      %dma_start3A_28 = tpu.memref_slice %arg3[%arg1, %dma_start3A, %dma_start3A_27] : memref<16x80x256xi32, #tpu.memory_space<hbm>> -> memref<1x80x256xi32, #tpu.memory_space<hbm>>
      %dma_start3A_29 = tpu.memref_squeeze %dma_start3A_28 : memref<1x80x256xi32, #tpu.memory_space<hbm>> -> memref<80x256xi32, #tpu.memory_space<hbm>>
      %dma_start3A_30 = arith.constant 0 : i32
      %dma_start3A_31 = arith.constant 0 : i32
      %dma_start3A_32 = tpu.memref_slice %arg3[%arg1, %dma_start3A_30, %dma_start3A_31] : memref<16x80x256xi32, #tpu.memory_space<hbm>> -> memref<1x80x256xi32, #tpu.memory_space<hbm>>
      %dma_start3A_33 = tpu.memref_squeeze %dma_start3A_32 : memref<1x80x256xi32, #tpu.memory_space<hbm>> -> memref<80x256xi32, #tpu.memory_space<hbm>>
      tpu.enqueue_dma source(%dma_start3A_33 : memref<80x256xi32, #tpu.memory_space<hbm>>) target(%arg13 : memref<80x256xi32, #tpu.memory_space<vmem>>) target_semaphore(%run_scoped3A : memref<!tpu.dma_semaphore, #tpu.memory_space<semaphore_mem>>)
      %dma_wait3A = arith.constant 0 : i32
      %dma_wait3A_34 = arith.constant 0 : i32
      %dma_wait3A_35 = tpu.memref_slice %arg3[%arg1, %dma_wait3A, %dma_wait3A_34] : memref<16x80x256xi32, #tpu.memory_space<hbm>> -> memref<1x80x256xi32, #tpu.memory_space<hbm>>
      %dma_wait3A_36 = tpu.memref_squeeze %dma_wait3A_35 : memref<1x80x256xi32, #tpu.memory_space<hbm>> -> memref<80x256xi32, #tpu.memory_space<hbm>>
      %dma_wait3A_37 = arith.constant 0 : i32
      %dma_wait3A_38 = arith.constant 0 : i32
      %dma_wait3A_39 = tpu.memref_slice %arg3[%arg1, %dma_wait3A_37, %dma_wait3A_38] : memref<16x80x256xi32, #tpu.memory_space<hbm>> -> memref<1x80x256xi32, #tpu.memory_space<hbm>>
      %dma_wait3A_40 = tpu.memref_squeeze %dma_wait3A_39 : memref<1x80x256xi32, #tpu.memory_space<hbm>> -> memref<80x256xi32, #tpu.memory_space<hbm>>
      tpu.wait_dma2 semaphore(%run_scoped3A : memref<!tpu.dma_semaphore, #tpu.memory_space<semaphore_mem>>) src(%dma_wait3A_40 : memref<80x256xi32, #tpu.memory_space<hbm>>) dst(%arg13 : memref<80x256xi32, #tpu.memory_space<vmem>>)
      tpu.yield
    }) : () -> ()
    "tpu.region"() ({
      %run_scoped3A = tpu.sem_alloc : memref<!tpu.dma_semaphore, #tpu.memory_space<semaphore_mem>>
      %dma_start3A = arith.constant 0 : i32
      %dma_start3A_27 = arith.constant 0 : i32
      %dma_start3A_28 = tpu.memref_slice %arg4[%arg1, %dma_start3A, %dma_start3A_27] : memref<16x80x256xi32, #tpu.memory_space<hbm>> -> memref<1x80x256xi32, #tpu.memory_space<hbm>>
      %dma_start3A_29 = tpu.memref_squeeze %dma_start3A_28 : memref<1x80x256xi32, #tpu.memory_space<hbm>> -> memref<80x256xi32, #tpu.memory_space<hbm>>
      %dma_start3A_30 = arith.constant 0 : i32
      %dma_start3A_31 = arith.constant 0 : i32
      %dma_start3A_32 = tpu.memref_slice %arg4[%arg1, %dma_start3A_30, %dma_start3A_31] : memref<16x80x256xi32, #tpu.memory_space<hbm>> -> memref<1x80x256xi32, #tpu.memory_space<hbm>>
      %dma_start3A_33 = tpu.memref_squeeze %dma_start3A_32 : memref<1x80x256xi32, #tpu.memory_space<hbm>> -> memref<80x256xi32, #tpu.memory_space<hbm>>
      tpu.enqueue_dma source(%dma_start3A_33 : memref<80x256xi32, #tpu.memory_space<hbm>>) target(%arg14 : memref<80x256xi32, #tpu.memory_space<vmem>>) target_semaphore(%run_scoped3A : memref<!tpu.dma_semaphore, #tpu.memory_space<semaphore_mem>>)
      %dma_wait3A = arith.constant 0 : i32
      %dma_wait3A_34 = arith.constant 0 : i32
      %dma_wait3A_35 = tpu.memref_slice %arg4[%arg1, %dma_wait3A, %dma_wait3A_34] : memref<16x80x256xi32, #tpu.memory_space<hbm>> -> memref<1x80x256xi32, #tpu.memory_space<hbm>>
      %dma_wait3A_36 = tpu.memref_squeeze %dma_wait3A_35 : memref<1x80x256xi32, #tpu.memory_space<hbm>> -> memref<80x256xi32, #tpu.memory_space<hbm>>
      %dma_wait3A_37 = arith.constant 0 : i32
      %dma_wait3A_38 = arith.constant 0 : i32
      %dma_wait3A_39 = tpu.memref_slice %arg4[%arg1, %dma_wait3A_37, %dma_wait3A_38] : memref<16x80x256xi32, #tpu.memory_space<hbm>> -> memref<1x80x256xi32, #tpu.memory_space<hbm>>
      %dma_wait3A_40 = tpu.memref_squeeze %dma_wait3A_39 : memref<1x80x256xi32, #tpu.memory_space<hbm>> -> memref<80x256xi32, #tpu.memory_space<hbm>>
      tpu.wait_dma2 semaphore(%run_scoped3A : memref<!tpu.dma_semaphore, #tpu.memory_space<semaphore_mem>>) src(%dma_wait3A_40 : memref<80x256xi32, #tpu.memory_space<hbm>>) dst(%arg14 : memref<80x256xi32, #tpu.memory_space<vmem>>)
      tpu.yield
    }) : () -> ()
    "tpu.region"() ({
      %run_scoped3A = tpu.sem_alloc : memref<!tpu.dma_semaphore, #tpu.memory_space<semaphore_mem>>
      %dma_start3A = tpu.memref_slice %arg12[%mul3A_2] : memref<10240xf32, #tpu.memory_space<vmem_shared>> -> memref<640xf32, #tpu.memory_space<vmem_shared>>
      %dma_start3A_27 = tpu.memref_slice %arg12[%mul3A_2] : memref<10240xf32, #tpu.memory_space<vmem_shared>> -> memref<640xf32, #tpu.memory_space<vmem_shared>>
      tpu.enqueue_dma source(%arg18 : memref<640xf32, #tpu.memory_space<vmem>>) target(%dma_start3A_27 : memref<640xf32, #tpu.memory_space<vmem_shared>>) target_semaphore(%run_scoped3A : memref<!tpu.dma_semaphore, #tpu.memory_space<semaphore_mem>>)
      %dma_wait3A = tpu.memref_slice %arg12[%mul3A_2] : memref<10240xf32, #tpu.memory_space<vmem_shared>> -> memref<640xf32, #tpu.memory_space<vmem_shared>>
      %dma_wait3A_28 = tpu.memref_slice %arg12[%mul3A_2] : memref<10240xf32, #tpu.memory_space<vmem_shared>> -> memref<640xf32, #tpu.memory_space<vmem_shared>>
      tpu.wait_dma2 semaphore(%run_scoped3A : memref<!tpu.dma_semaphore, #tpu.memory_space<semaphore_mem>>) src(%arg18 : memref<640xf32, #tpu.memory_space<vmem>>) dst(%dma_wait3A_28 : memref<640xf32, #tpu.memory_space<vmem_shared>>)
      tpu.yield
    }) : () -> ()
    %barrier3A = arith.constant 0 : index
    tpu.barrier barrier_id(%barrier3A)
    %scan3A = arith.constant 0 : i32
    %scan3A_3 = arith.constant 10 : i32
    %scan3A_4 = arith.addi %scan3A, %scan3A_3 : i32
    %scan3A_5 = arith.constant 1 : i32
    scf.for %scan3A_27 = %scan3A to %scan3A_4 step %scan3A_5  : i32 {
      %mul3A_28 = arith.constant 8 : i32
      %mul3A_29 = arith.muli %scan3A_27, %mul3A_28 : i32
      %add3A = arith.constant 0 : i32
      %add3A_30 = arith.addi %mul3A_29, %add3A : i32
      %dma_start3A = arith.constant 0 : i32
      %dma_start3A_31 = tpu.memref_slice %arg14[%add3A_30, %dma_start3A] : memref<80x256xi32, #tpu.memory_space<vmem>> -> memref<1x256xi32, #tpu.memory_space<vmem>>
      %dma_start3A_32 = tpu.memref_squeeze %dma_start3A_31 : memref<1x256xi32, #tpu.memory_space<vmem>> -> memref<256xi32, #tpu.memory_space<vmem>>
      %dma_start3A_33 = arith.constant 0 : i32
      %dma_start3A_34 = tpu.memref_slice %arg12[%dma_start3A_33] : memref<10240xf32, #tpu.memory_space<vmem_shared>> -> memref<10240xf32, #tpu.memory_space<vmem_shared>>
      tpu.enqueue_indirect_dma source(%arg17 : memref<256xf32, #tpu.memory_space<vmem>>) target(%dma_start3A_34 : memref<10240xf32, #tpu.memory_space<vmem_shared>>) offsets(%dma_start3A_32 : memref<256xi32, #tpu.memory_space<vmem>>) semaphore(%arg25 : memref<!tpu.dma_semaphore, #tpu.memory_space<semaphore_mem>>) {add = true}
      %mul3A_35 = arith.constant 8 : i32
      %mul3A_36 = arith.muli %scan3A_27, %mul3A_35 : i32
      %add3A_37 = arith.constant 1 : i32
      %add3A_38 = arith.addi %mul3A_36, %add3A_37 : i32
      %dma_start3A_39 = arith.constant 0 : i32
      %dma_start3A_40 = tpu.memref_slice %arg14[%add3A_38, %dma_start3A_39] : memref<80x256xi32, #tpu.memory_space<vmem>> -> memref<1x256xi32, #tpu.memory_space<vmem>>
      %dma_start3A_41 = tpu.memref_squeeze %dma_start3A_40 : memref<1x256xi32, #tpu.memory_space<vmem>> -> memref<256xi32, #tpu.memory_space<vmem>>
      %dma_start3A_42 = arith.constant 0 : i32
      %dma_start3A_43 = tpu.memref_slice %arg12[%dma_start3A_42] : memref<10240xf32, #tpu.memory_space<vmem_shared>> -> memref<10240xf32, #tpu.memory_space<vmem_shared>>
      tpu.enqueue_indirect_dma source(%arg17 : memref<256xf32, #tpu.memory_space<vmem>>) target(%dma_start3A_43 : memref<10240xf32, #tpu.memory_space<vmem_shared>>) offsets(%dma_start3A_41 : memref<256xi32, #tpu.memory_space<vmem>>) semaphore(%arg25 : memref<!tpu.dma_semaphore, #tpu.memory_space<semaphore_mem>>) {add = true}
      %mul3A_44 = arith.constant 8 : i32
      %mul3A_45 = arith.muli %scan3A_27, %mul3A_44 : i32
      %add3A_46 = arith.constant 2 : i32
      %add3A_47 = arith.addi %mul3A_45, %add3A_46 : i32
      %dma_start3A_48 = arith.constant 0 : i32
      %dma_start3A_49 = tpu.memref_slice %arg14[%add3A_47, %dma_start3A_48] : memref<80x256xi32, #tpu.memory_space<vmem>> -> memref<1x256xi32, #tpu.memory_space<vmem>>
      %dma_start3A_50 = tpu.memref_squeeze %dma_start3A_49 : memref<1x256xi32, #tpu.memory_space<vmem>> -> memref<256xi32, #tpu.memory_space<vmem>>
      %dma_start3A_51 = arith.constant 0 : i32
      %dma_start3A_52 = tpu.memref_slice %arg12[%dma_start3A_51] : memref<10240xf32, #tpu.memory_space<vmem_shared>> -> memref<10240xf32, #tpu.memory_space<vmem_shared>>
      tpu.enqueue_indirect_dma source(%arg17 : memref<256xf32, #tpu.memory_space<vmem>>) target(%dma_start3A_52 : memref<10240xf32, #tpu.memory_space<vmem_shared>>) offsets(%dma_start3A_50 : memref<256xi32, #tpu.memory_space<vmem>>) semaphore(%arg25 : memref<!tpu.dma_semaphore, #tpu.memory_space<semaphore_mem>>) {add = true}
      %mul3A_53 = arith.constant 8 : i32
      %mul3A_54 = arith.muli %scan3A_27, %mul3A_53 : i32
      %add3A_55 = arith.constant 3 : i32
      %add3A_56 = arith.addi %mul3A_54, %add3A_55 : i32
      %dma_start3A_57 = arith.constant 0 : i32
      %dma_start3A_58 = tpu.memref_slice %arg14[%add3A_56, %dma_start3A_57] : memref<80x256xi32, #tpu.memory_space<vmem>> -> memref<1x256xi32, #tpu.memory_space<vmem>>
      %dma_start3A_59 = tpu.memref_squeeze %dma_start3A_58 : memref<1x256xi32, #tpu.memory_space<vmem>> -> memref<256xi32, #tpu.memory_space<vmem>>
      %dma_start3A_60 = arith.constant 0 : i32
      %dma_start3A_61 = tpu.memref_slice %arg12[%dma_start3A_60] : memref<10240xf32, #tpu.memory_space<vmem_shared>> -> memref<10240xf32, #tpu.memory_space<vmem_shared>>
      tpu.enqueue_indirect_dma source(%arg17 : memref<256xf32, #tpu.memory_space<vmem>>) target(%dma_start3A_61 : memref<10240xf32, #tpu.memory_space<vmem_shared>>) offsets(%dma_start3A_59 : memref<256xi32, #tpu.memory_space<vmem>>) semaphore(%arg25 : memref<!tpu.dma_semaphore, #tpu.memory_space<semaphore_mem>>) {add = true}
      %mul3A_62 = arith.constant 8 : i32
      %mul3A_63 = arith.muli %scan3A_27, %mul3A_62 : i32
      %add3A_64 = arith.constant 4 : i32
      %add3A_65 = arith.addi %mul3A_63, %add3A_64 : i32
      %dma_start3A_66 = arith.constant 0 : i32
      %dma_start3A_67 = tpu.memref_slice %arg14[%add3A_65, %dma_start3A_66] : memref<80x256xi32, #tpu.memory_space<vmem>> -> memref<1x256xi32, #tpu.memory_space<vmem>>
      %dma_start3A_68 = tpu.memref_squeeze %dma_start3A_67 : memref<1x256xi32, #tpu.memory_space<vmem>> -> memref<256xi32, #tpu.memory_space<vmem>>
      %dma_start3A_69 = arith.constant 0 : i32
      %dma_start3A_70 = tpu.memref_slice %arg12[%dma_start3A_69] : memref<10240xf32, #tpu.memory_space<vmem_shared>> -> memref<10240xf32, #tpu.memory_space<vmem_shared>>
      tpu.enqueue_indirect_dma source(%arg17 : memref<256xf32, #tpu.memory_space<vmem>>) target(%dma_start3A_70 : memref<10240xf32, #tpu.memory_space<vmem_shared>>) offsets(%dma_start3A_68 : memref<256xi32, #tpu.memory_space<vmem>>) semaphore(%arg25 : memref<!tpu.dma_semaphore, #tpu.memory_space<semaphore_mem>>) {add = true}
      %mul3A_71 = arith.constant 8 : i32
      %mul3A_72 = arith.muli %scan3A_27, %mul3A_71 : i32
      %add3A_73 = arith.constant 5 : i32
      %add3A_74 = arith.addi %mul3A_72, %add3A_73 : i32
      %dma_start3A_75 = arith.constant 0 : i32
      %dma_start3A_76 = tpu.memref_slice %arg14[%add3A_74, %dma_start3A_75] : memref<80x256xi32, #tpu.memory_space<vmem>> -> memref<1x256xi32, #tpu.memory_space<vmem>>
      %dma_start3A_77 = tpu.memref_squeeze %dma_start3A_76 : memref<1x256xi32, #tpu.memory_space<vmem>> -> memref<256xi32, #tpu.memory_space<vmem>>
      %dma_start3A_78 = arith.constant 0 : i32
      %dma_start3A_79 = tpu.memref_slice %arg12[%dma_start3A_78] : memref<10240xf32, #tpu.memory_space<vmem_shared>> -> memref<10240xf32, #tpu.memory_space<vmem_shared>>
      tpu.enqueue_indirect_dma source(%arg17 : memref<256xf32, #tpu.memory_space<vmem>>) target(%dma_start3A_79 : memref<10240xf32, #tpu.memory_space<vmem_shared>>) offsets(%dma_start3A_77 : memref<256xi32, #tpu.memory_space<vmem>>) semaphore(%arg25 : memref<!tpu.dma_semaphore, #tpu.memory_space<semaphore_mem>>) {add = true}
      %mul3A_80 = arith.constant 8 : i32
      %mul3A_81 = arith.muli %scan3A_27, %mul3A_80 : i32
      %add3A_82 = arith.constant 6 : i32
      %add3A_83 = arith.addi %mul3A_81, %add3A_82 : i32
      %dma_start3A_84 = arith.constant 0 : i32
      %dma_start3A_85 = tpu.memref_slice %arg14[%add3A_83, %dma_start3A_84] : memref<80x256xi32, #tpu.memory_space<vmem>> -> memref<1x256xi32, #tpu.memory_space<vmem>>
      %dma_start3A_86 = tpu.memref_squeeze %dma_start3A_85 : memref<1x256xi32, #tpu.memory_space<vmem>> -> memref<256xi32, #tpu.memory_space<vmem>>
      %dma_start3A_87 = arith.constant 0 : i32
      %dma_start3A_88 = tpu.memref_slice %arg12[%dma_start3A_87] : memref<10240xf32, #tpu.memory_space<vmem_shared>> -> memref<10240xf32, #tpu.memory_space<vmem_shared>>
      tpu.enqueue_indirect_dma source(%arg17 : memref<256xf32, #tpu.memory_space<vmem>>) target(%dma_start3A_88 : memref<10240xf32, #tpu.memory_space<vmem_shared>>) offsets(%dma_start3A_86 : memref<256xi32, #tpu.memory_space<vmem>>) semaphore(%arg25 : memref<!tpu.dma_semaphore, #tpu.memory_space<semaphore_mem>>) {add = true}
      %mul3A_89 = arith.constant 8 : i32
      %mul3A_90 = arith.muli %scan3A_27, %mul3A_89 : i32
      %add3A_91 = arith.constant 7 : i32
      %add3A_92 = arith.addi %mul3A_90, %add3A_91 : i32
      %dma_start3A_93 = arith.constant 0 : i32
      %dma_start3A_94 = tpu.memref_slice %arg14[%add3A_92, %dma_start3A_93] : memref<80x256xi32, #tpu.memory_space<vmem>> -> memref<1x256xi32, #tpu.memory_space<vmem>>
      %dma_start3A_95 = tpu.memref_squeeze %dma_start3A_94 : memref<1x256xi32, #tpu.memory_space<vmem>> -> memref<256xi32, #tpu.memory_space<vmem>>
      %dma_start3A_96 = arith.constant 0 : i32
      %dma_start3A_97 = tpu.memref_slice %arg12[%dma_start3A_96] : memref<10240xf32, #tpu.memory_space<vmem_shared>> -> memref<10240xf32, #tpu.memory_space<vmem_shared>>
      tpu.enqueue_indirect_dma source(%arg17 : memref<256xf32, #tpu.memory_space<vmem>>) target(%dma_start3A_97 : memref<10240xf32, #tpu.memory_space<vmem_shared>>) offsets(%dma_start3A_95 : memref<256xi32, #tpu.memory_space<vmem>>) semaphore(%arg25 : memref<!tpu.dma_semaphore, #tpu.memory_space<semaphore_mem>>) {add = true}
      %dma_wait3A = arith.constant 0 : i32
      %dma_wait3A_98 = tpu.memref_slice %arg12[%dma_wait3A] : memref<10240xf32, #tpu.memory_space<vmem_shared>> -> memref<256xf32, #tpu.memory_space<vmem_shared>>
      %dma_wait3A_99 = arith.constant 0 : i32
      %dma_wait3A_100 = tpu.memref_slice %arg12[%dma_wait3A_99] : memref<10240xf32, #tpu.memory_space<vmem_shared>> -> memref<256xf32, #tpu.memory_space<vmem_shared>>
      tpu.wait_dma2 semaphore(%arg25 : memref<!tpu.dma_semaphore, #tpu.memory_space<semaphore_mem>>) src(%arg17 : memref<256xf32, #tpu.memory_space<vmem>>) dst(%dma_wait3A_100 : memref<256xf32, #tpu.memory_space<vmem_shared>>)
      %dma_wait3A_101 = arith.constant 0 : i32
      %dma_wait3A_102 = tpu.memref_slice %arg12[%dma_wait3A_101] : memref<10240xf32, #tpu.memory_space<vmem_shared>> -> memref<256xf32, #tpu.memory_space<vmem_shared>>
      %dma_wait3A_103 = arith.constant 0 : i32
      %dma_wait3A_104 = tpu.memref_slice %arg12[%dma_wait3A_103] : memref<10240xf32, #tpu.memory_space<vmem_shared>> -> memref<256xf32, #tpu.memory_space<vmem_shared>>
      tpu.wait_dma2 semaphore(%arg25 : memref<!tpu.dma_semaphore, #tpu.memory_space<semaphore_mem>>) src(%arg17 : memref<256xf32, #tpu.memory_space<vmem>>) dst(%dma_wait3A_104 : memref<256xf32, #tpu.memory_space<vmem_shared>>)
      %dma_wait3A_105 = arith.constant 0 : i32
      %dma_wait3A_106 = tpu.memref_slice %arg12[%dma_wait3A_105] : memref<10240xf32, #tpu.memory_space<vmem_shared>> -> memref<256xf32, #tpu.memory_space<vmem_shared>>
      %dma_wait3A_107 = arith.constant 0 : i32
      %dma_wait3A_108 = tpu.memref_slice %arg12[%dma_wait3A_107] : memref<10240xf32, #tpu.memory_space<vmem_shared>> -> memref<256xf32, #tpu.memory_space<vmem_shared>>
      tpu.wait_dma2 semaphore(%arg25 : memref<!tpu.dma_semaphore, #tpu.memory_space<semaphore_mem>>) src(%arg17 : memref<256xf32, #tpu.memory_space<vmem>>) dst(%dma_wait3A_108 : memref<256xf32, #tpu.memory_space<vmem_shared>>)
      %dma_wait3A_109 = arith.constant 0 : i32
      %dma_wait3A_110 = tpu.memref_slice %arg12[%dma_wait3A_109] : memref<10240xf32, #tpu.memory_space<vmem_shared>> -> memref<256xf32, #tpu.memory_space<vmem_shared>>
      %dma_wait3A_111 = arith.constant 0 : i32
      %dma_wait3A_112 = tpu.memref_slice %arg12[%dma_wait3A_111] : memref<10240xf32, #tpu.memory_space<vmem_shared>> -> memref<256xf32, #tpu.memory_space<vmem_shared>>
      tpu.wait_dma2 semaphore(%arg25 : memref<!tpu.dma_semaphore, #tpu.memory_space<semaphore_mem>>) src(%arg17 : memref<256xf32, #tpu.memory_space<vmem>>) dst(%dma_wait3A_112 : memref<256xf32, #tpu.memory_space<vmem_shared>>)
      %dma_wait3A_113 = arith.constant 0 : i32
      %dma_wait3A_114 = tpu.memref_slice %arg12[%dma_wait3A_113] : memref<10240xf32, #tpu.memory_space<vmem_shared>> -> memref<256xf32, #tpu.memory_space<vmem_shared>>
      %dma_wait3A_115 = arith.constant 0 : i32
      %dma_wait3A_116 = tpu.memref_slice %arg12[%dma_wait3A_115] : memref<10240xf32, #tpu.memory_space<vmem_shared>> -> memref<256xf32, #tpu.memory_space<vmem_shared>>
      tpu.wait_dma2 semaphore(%arg25 : memref<!tpu.dma_semaphore, #tpu.memory_space<semaphore_mem>>) src(%arg17 : memref<256xf32, #tpu.memory_space<vmem>>) dst(%dma_wait3A_116 : memref<256xf32, #tpu.memory_space<vmem_shared>>)
      %dma_wait3A_117 = arith.constant 0 : i32
      %dma_wait3A_118 = tpu.memref_slice %arg12[%dma_wait3A_117] : memref<10240xf32, #tpu.memory_space<vmem_shared>> -> memref<256xf32, #tpu.memory_space<vmem_shared>>
      %dma_wait3A_119 = arith.constant 0 : i32
      %dma_wait3A_120 = tpu.memref_slice %arg12[%dma_wait3A_119] : memref<10240xf32, #tpu.memory_space<vmem_shared>> -> memref<256xf32, #tpu.memory_space<vmem_shared>>
      tpu.wait_dma2 semaphore(%arg25 : memref<!tpu.dma_semaphore, #tpu.memory_space<semaphore_mem>>) src(%arg17 : memref<256xf32, #tpu.memory_space<vmem>>) dst(%dma_wait3A_120 : memref<256xf32, #tpu.memory_space<vmem_shared>>)
      %dma_wait3A_121 = arith.constant 0 : i32
      %dma_wait3A_122 = tpu.memref_slice %arg12[%dma_wait3A_121] : memref<10240xf32, #tpu.memory_space<vmem_shared>> -> memref<256xf32, #tpu.memory_space<vmem_shared>>
      %dma_wait3A_123 = arith.constant 0 : i32
      %dma_wait3A_124 = tpu.memref_slice %arg12[%dma_wait3A_123] : memref<10240xf32, #tpu.memory_space<vmem_shared>> -> memref<256xf32, #tpu.memory_space<vmem_shared>>
      tpu.wait_dma2 semaphore(%arg25 : memref<!tpu.dma_semaphore, #tpu.memory_space<semaphore_mem>>) src(%arg17 : memref<256xf32, #tpu.memory_space<vmem>>) dst(%dma_wait3A_124 : memref<256xf32, #tpu.memory_space<vmem_shared>>)
      %dma_wait3A_125 = arith.constant 0 : i32
      %dma_wait3A_126 = tpu.memref_slice %arg12[%dma_wait3A_125] : memref<10240xf32, #tpu.memory_space<vmem_shared>> -> memref<256xf32, #tpu.memory_space<vmem_shared>>
      %dma_wait3A_127 = arith.constant 0 : i32
      %dma_wait3A_128 = tpu.memref_slice %arg12[%dma_wait3A_127] : memref<10240xf32, #tpu.memory_space<vmem_shared>> -> memref<256xf32, #tpu.memory_space<vmem_shared>>
      tpu.wait_dma2 semaphore(%arg25 : memref<!tpu.dma_semaphore, #tpu.memory_space<semaphore_mem>>) src(%arg17 : memref<256xf32, #tpu.memory_space<vmem>>) dst(%dma_wait3A_128 : memref<256xf32, #tpu.memory_space<vmem_shared>>)
    }
    %scan3A_6 = arith.constant 10 : i32
    %barrier3A_7 = arith.constant 0 : index
    tpu.barrier barrier_id(%barrier3A_7)
    "tpu.region"() ({
      %run_scoped3A = tpu.sem_alloc : memref<!tpu.dma_semaphore, #tpu.memory_space<semaphore_mem>>
      %dma_start3A = tpu.memref_slice %arg12[%mul3A_0] : memref<10240xf32, #tpu.memory_space<vmem_shared>> -> memref<640xf32, #tpu.memory_space<vmem_shared>>
      %dma_start3A_27 = tpu.memref_slice %arg12[%mul3A_0] : memref<10240xf32, #tpu.memory_space<vmem_shared>> -> memref<640xf32, #tpu.memory_space<vmem_shared>>
      tpu.enqueue_dma source(%dma_start3A_27 : memref<640xf32, #tpu.memory_space<vmem_shared>>) target(%arg20 : memref<640xf32, #tpu.memory_space<vmem>>) target_semaphore(%run_scoped3A : memref<!tpu.dma_semaphore, #tpu.memory_space<semaphore_mem>>)
      %dma_wait3A = tpu.memref_slice %arg12[%mul3A_0] : memref<10240xf32, #tpu.memory_space<vmem_shared>> -> memref<640xf32, #tpu.memory_space<vmem_shared>>
      %dma_wait3A_28 = tpu.memref_slice %arg12[%mul3A_0] : memref<10240xf32, #tpu.memory_space<vmem_shared>> -> memref<640xf32, #tpu.memory_space<vmem_shared>>
      tpu.wait_dma2 semaphore(%run_scoped3A : memref<!tpu.dma_semaphore, #tpu.memory_space<semaphore_mem>>) src(%dma_wait3A_28 : memref<640xf32, #tpu.memory_space<vmem_shared>>) dst(%arg20 : memref<640xf32, #tpu.memory_space<vmem>>)
      tpu.yield
    }) : () -> ()
    %scan3A_8 = arith.constant 0 : i32
    %scan3A_9 = arith.constant 40 : i32
    %scan3A_10 = arith.addi %scan3A_8, %scan3A_9 : i32
    %scan3A_11 = arith.constant 1 : i32
    scf.for %scan3A_27 = %scan3A_8 to %scan3A_10 step %scan3A_11  : i32 {
      %mul3A_28 = arith.constant 16 : i32
      %mul3A_29 = arith.muli %scan3A_27, %mul3A_28 : i32
      %get3A_30 = arith.index_cast %mul3A_29 : i32 to index
      %get3A_31 = tpu.vector_load %arg20[%get3A_30] {strides = array<i32>} : memref<640xf32, #tpu.memory_space<vmem>>, vector<16xf32>,
      %add3A = arith.constant 1.000000e+00 : f32
      %add3A_32 = vector.broadcast %add3A : f32 to vector<16xf32>
      %add3A_33 = arith.addf %get3A_31, %add3A_32 : vector<16xf32>
      %bitcast_convert_type3A = tpu.bitcast %add3A_33 : vector<16xf32> -> vector<16xi32>
      %shift_right_arithmetic3A = arith.constant 1 : i32
      %shift_right_arithmetic3A_34 = vector.broadcast %shift_right_arithmetic3A : i32 to vector<16xi32>
      %shift_right_arithmetic3A_35 = arith.shrsi %bitcast_convert_type3A, %shift_right_arithmetic3A_34 : vector<16xi32>
      %sub3A = arith.constant 1597463007 : i32
      %sub3A_36 = vector.broadcast %sub3A : i32 to vector<16xi32>
      %sub3A_37 = arith.subi %sub3A_36, %shift_right_arithmetic3A_35 : vector<16xi32>
      %bitcast_convert_type3A_38 = tpu.bitcast %sub3A_37 : vector<16xi32> -> vector<16xf32>
      %mul3A_39 = arith.constant 5.000000e-01 : f32
      %mul3A_40 = vector.broadcast %mul3A_39 : f32 to vector<16xf32>
      %mul3A_41 = arith.mulf %mul3A_40, %add3A_33 : vector<16xf32>
      %mul3A_42 = arith.mulf %mul3A_41, %bitcast_convert_type3A_38 : vector<16xf32>
      %mul3A_43 = arith.mulf %mul3A_42, %bitcast_convert_type3A_38 : vector<16xf32>
      %sub3A_44 = arith.constant 1.500000e+00 : f32
      %sub3A_45 = vector.broadcast %sub3A_44 : f32 to vector<16xf32>
      %sub3A_46 = arith.subf %sub3A_45, %mul3A_43 : vector<16xf32>
      %mul3A_47 = arith.mulf %bitcast_convert_type3A_38, %sub3A_46 : vector<16xf32>
      %mul3A_48 = arith.constant 5.000000e-01 : f32
      %mul3A_49 = vector.broadcast %mul3A_48 : f32 to vector<16xf32>
      %mul3A_50 = arith.mulf %mul3A_49, %add3A_33 : vector<16xf32>
      %mul3A_51 = arith.mulf %mul3A_50, %mul3A_47 : vector<16xf32>
      %mul3A_52 = arith.mulf %mul3A_51, %mul3A_47 : vector<16xf32>
      %sub3A_53 = arith.constant 1.500000e+00 : f32
      %sub3A_54 = vector.broadcast %sub3A_53 : f32 to vector<16xf32>
      %sub3A_55 = arith.subf %sub3A_54, %mul3A_52 : vector<16xf32>
      %mul3A_56 = arith.mulf %mul3A_47, %sub3A_55 : vector<16xf32>
      %mul3A_57 = arith.constant 5.000000e-01 : f32
      %mul3A_58 = vector.broadcast %mul3A_57 : f32 to vector<16xf32>
      %mul3A_59 = arith.mulf %mul3A_58, %add3A_33 : vector<16xf32>
      %mul3A_60 = arith.mulf %mul3A_59, %mul3A_56 : vector<16xf32>
      %mul3A_61 = arith.mulf %mul3A_60, %mul3A_56 : vector<16xf32>
      %sub3A_62 = arith.constant 1.500000e+00 : f32
      %sub3A_63 = vector.broadcast %sub3A_62 : f32 to vector<16xf32>
      %sub3A_64 = arith.subf %sub3A_63, %mul3A_61 : vector<16xf32>
      %mul3A_65 = arith.mulf %mul3A_56, %sub3A_64 : vector<16xf32>
      %mul3A_66 = arith.constant 16 : i32
      %mul3A_67 = arith.muli %scan3A_27, %mul3A_66 : i32
      %swap3A = arith.index_cast %mul3A_67 : i32 to index
      %swap3A_68 = tpu.vector_load %arg20[%swap3A] {strides = array<i32>} : memref<640xf32, #tpu.memory_space<vmem>>, vector<16xf32>,
      tpu.vector_store %arg20[%swap3A], %mul3A_65 {strides = array<i32>} : memref<640xf32, #tpu.memory_space<vmem>>, vector<16xf32>,
    }
    %scan3A_12 = arith.constant 40 : i32
    "tpu.region"() ({
      %run_scoped3A = tpu.sem_alloc : memref<!tpu.dma_semaphore, #tpu.memory_space<semaphore_mem>>
      %dma_start3A = arith.constant 0 : i32
      %dma_start3A_27 = tpu.memref_slice %arg2[%mul3A_0, %dma_start3A] : memref<10240x16xf32, #tpu.memory_space<hbm>> -> memref<640x16xf32, #tpu.memory_space<hbm>>
      %dma_start3A_28 = arith.constant 0 : i32
      %dma_start3A_29 = tpu.memref_slice %arg2[%mul3A_0, %dma_start3A_28] : memref<10240x16xf32, #tpu.memory_space<hbm>> -> memref<640x16xf32, #tpu.memory_space<hbm>>
      tpu.enqueue_dma source(%dma_start3A_29 : memref<640x16xf32, #tpu.memory_space<hbm>>) target(%arg22 : memref<640x16xf32, #tpu.memory_space<vmem>>) target_semaphore(%run_scoped3A : memref<!tpu.dma_semaphore, #tpu.memory_space<semaphore_mem>>)
      %dma_wait3A = arith.constant 0 : i32
      %dma_wait3A_30 = tpu.memref_slice %arg2[%mul3A_0, %dma_wait3A] : memref<10240x16xf32, #tpu.memory_space<hbm>> -> memref<640x16xf32, #tpu.memory_space<hbm>>
      %dma_wait3A_31 = arith.constant 0 : i32
      %dma_wait3A_32 = tpu.memref_slice %arg2[%mul3A_0, %dma_wait3A_31] : memref<10240x16xf32, #tpu.memory_space<hbm>> -> memref<640x16xf32, #tpu.memory_space<hbm>>
      tpu.wait_dma2 semaphore(%run_scoped3A : memref<!tpu.dma_semaphore, #tpu.memory_space<semaphore_mem>>) src(%dma_wait3A_32 : memref<640x16xf32, #tpu.memory_space<hbm>>) dst(%arg22 : memref<640x16xf32, #tpu.memory_space<vmem>>)
      tpu.yield
    }) : () -> ()
    %get3A = arith.constant 0 : i32
    %get3A_13 = arith.index_cast %get3A : i32 to index
    %get3A_14 = arith.constant 0 : index
    %get3A_15 = tpu.vector_load %arg16[%get3A_13, %get3A_14] {strides = array<i32>} : memref<16x16xf32, #tpu.memory_space<vmem>>, vector<16xf32>,
    %scan3A_16 = arith.constant 0 : i32
    %scan3A_17 = arith.constant 160 : i32
    %scan3A_18 = arith.addi %scan3A_16, %scan3A_17 : i32
    %scan3A_19 = arith.constant 1 : i32
    scf.for %scan3A_27 = %scan3A_16 to %scan3A_18 step %scan3A_19  : i32 {
      %mul3A_28 = arith.constant 4 : i32
      %mul3A_29 = arith.muli %scan3A_27, %mul3A_28 : i32
      %add3A = arith.constant 0 : i32
      %add3A_30 = arith.addi %mul3A_29, %add3A : i32
      %broadcast_in_dim3A = vector.broadcast %add3A_30 : i32 to vector<16xi32>
      %gather3A = tpu.vector_load_idx %arg20[%broadcast_in_dim3A] : memref<640xf32, #tpu.memory_space<vmem>>[vector<16xi32>], vector<16xf32>,
      %swap3A = arith.index_cast %add3A_30 : i32 to index
      %swap3A_31 = arith.constant 0 : index
      %swap3A_32 = tpu.vector_load %arg21[%swap3A, %swap3A_31] {strides = array<i32>} : memref<640x16xf32, #tpu.memory_space<vmem>>, vector<16xf32>,
      tpu.vector_store %arg21[%swap3A, %swap3A_31], %gather3A {strides = array<i32>} : memref<640x16xf32, #tpu.memory_space<vmem>>, vector<16xf32>,
      %get3A_33 = arith.index_cast %add3A_30 : i32 to index
      %get3A_34 = arith.constant 0 : index
      %get3A_35 = tpu.vector_load %arg22[%get3A_33, %get3A_34] {strides = array<i32>} : memref<640x16xf32, #tpu.memory_space<vmem>>, vector<16xf32>,
      %mul3A_36 = arith.mulf %gather3A, %get3A_35 : vector<16xf32>
      %swap3A_37 = arith.index_cast %add3A_30 : i32 to index
      %swap3A_38 = arith.constant 0 : index
      %swap3A_39 = tpu.vector_load %arg23[%swap3A_37, %swap3A_38] {strides = array<i32>} : memref<640x16xf32, #tpu.memory_space<vmem>>, vector<16xf32>,
      tpu.vector_store %arg23[%swap3A_37, %swap3A_38], %mul3A_36 {strides = array<i32>} : memref<640x16xf32, #tpu.memory_space<vmem>>, vector<16xf32>,
      %mul3A_40 = arith.mulf %get3A_15, %get3A_35 : vector<16xf32>
      %swap3A_41 = arith.index_cast %add3A_30 : i32 to index
      %swap3A_42 = arith.constant 0 : index
      %swap3A_43 = tpu.vector_load %arg24[%swap3A_41, %swap3A_42] {strides = array<i32>} : memref<640x16xf32, #tpu.memory_space<vmem>>, vector<16xf32>,
      tpu.vector_store %arg24[%swap3A_41, %swap3A_42], %mul3A_40 {strides = array<i32>} : memref<640x16xf32, #tpu.memory_space<vmem>>, vector<16xf32>,
      %mul3A_44 = arith.constant 4 : i32
      %mul3A_45 = arith.muli %scan3A_27, %mul3A_44 : i32
      %add3A_46 = arith.constant 1 : i32
      %add3A_47 = arith.addi %mul3A_45, %add3A_46 : i32
      %broadcast_in_dim3A_48 = vector.broadcast %add3A_47 : i32 to vector<16xi32>
      %gather3A_49 = tpu.vector_load_idx %arg20[%broadcast_in_dim3A_48] : memref<640xf32, #tpu.memory_space<vmem>>[vector<16xi32>], vector<16xf32>,
      %swap3A_50 = arith.index_cast %add3A_47 : i32 to index
      %swap3A_51 = arith.constant 0 : index
      %swap3A_52 = tpu.vector_load %arg21[%swap3A_50, %swap3A_51] {strides = array<i32>} : memref<640x16xf32, #tpu.memory_space<vmem>>, vector<16xf32>,
      tpu.vector_store %arg21[%swap3A_50, %swap3A_51], %gather3A_49 {strides = array<i32>} : memref<640x16xf32, #tpu.memory_space<vmem>>, vector<16xf32>,
      %get3A_53 = arith.index_cast %add3A_47 : i32 to index
      %get3A_54 = arith.constant 0 : index
      %get3A_55 = tpu.vector_load %arg22[%get3A_53, %get3A_54] {strides = array<i32>} : memref<640x16xf32, #tpu.memory_space<vmem>>, vector<16xf32>,
      %mul3A_56 = arith.mulf %gather3A_49, %get3A_55 : vector<16xf32>
      %swap3A_57 = arith.index_cast %add3A_47 : i32 to index
      %swap3A_58 = arith.constant 0 : index
      %swap3A_59 = tpu.vector_load %arg23[%swap3A_57, %swap3A_58] {strides = array<i32>} : memref<640x16xf32, #tpu.memory_space<vmem>>, vector<16xf32>,
      tpu.vector_store %arg23[%swap3A_57, %swap3A_58], %mul3A_56 {strides = array<i32>} : memref<640x16xf32, #tpu.memory_space<vmem>>, vector<16xf32>,
      %mul3A_60 = arith.mulf %get3A_15, %get3A_55 : vector<16xf32>
      %swap3A_61 = arith.index_cast %add3A_47 : i32 to index
      %swap3A_62 = arith.constant 0 : index
      %swap3A_63 = tpu.vector_load %arg24[%swap3A_61, %swap3A_62] {strides = array<i32>} : memref<640x16xf32, #tpu.memory_space<vmem>>, vector<16xf32>,
      tpu.vector_store %arg24[%swap3A_61, %swap3A_62], %mul3A_60 {strides = array<i32>} : memref<640x16xf32, #tpu.memory_space<vmem>>, vector<16xf32>,
      %mul3A_64 = arith.constant 4 : i32
      %mul3A_65 = arith.muli %scan3A_27, %mul3A_64 : i32
      %add3A_66 = arith.constant 2 : i32
      %add3A_67 = arith.addi %mul3A_65, %add3A_66 : i32
      %broadcast_in_dim3A_68 = vector.broadcast %add3A_67 : i32 to vector<16xi32>
      %gather3A_69 = tpu.vector_load_idx %arg20[%broadcast_in_dim3A_68] : memref<640xf32, #tpu.memory_space<vmem>>[vector<16xi32>], vector<16xf32>,
      %swap3A_70 = arith.index_cast %add3A_67 : i32 to index
      %swap3A_71 = arith.constant 0 : index
      %swap3A_72 = tpu.vector_load %arg21[%swap3A_70, %swap3A_71] {strides = array<i32>} : memref<640x16xf32, #tpu.memory_space<vmem>>, vector<16xf32>,
      tpu.vector_store %arg21[%swap3A_70, %swap3A_71], %gather3A_69 {strides = array<i32>} : memref<640x16xf32, #tpu.memory_space<vmem>>, vector<16xf32>,
      %get3A_73 = arith.index_cast %add3A_67 : i32 to index
      %get3A_74 = arith.constant 0 : index
      %get3A_75 = tpu.vector_load %arg22[%get3A_73, %get3A_74] {strides = array<i32>} : memref<640x16xf32, #tpu.memory_space<vmem>>, vector<16xf32>,
      %mul3A_76 = arith.mulf %gather3A_69, %get3A_75 : vector<16xf32>
      %swap3A_77 = arith.index_cast %add3A_67 : i32 to index
      %swap3A_78 = arith.constant 0 : index
      %swap3A_79 = tpu.vector_load %arg23[%swap3A_77, %swap3A_78] {strides = array<i32>} : memref<640x16xf32, #tpu.memory_space<vmem>>, vector<16xf32>,
      tpu.vector_store %arg23[%swap3A_77, %swap3A_78], %mul3A_76 {strides = array<i32>} : memref<640x16xf32, #tpu.memory_space<vmem>>, vector<16xf32>,
      %mul3A_80 = arith.mulf %get3A_15, %get3A_75 : vector<16xf32>
      %swap3A_81 = arith.index_cast %add3A_67 : i32 to index
      %swap3A_82 = arith.constant 0 : index
      %swap3A_83 = tpu.vector_load %arg24[%swap3A_81, %swap3A_82] {strides = array<i32>} : memref<640x16xf32, #tpu.memory_space<vmem>>, vector<16xf32>,
      tpu.vector_store %arg24[%swap3A_81, %swap3A_82], %mul3A_80 {strides = array<i32>} : memref<640x16xf32, #tpu.memory_space<vmem>>, vector<16xf32>,
      %mul3A_84 = arith.constant 4 : i32
      %mul3A_85 = arith.muli %scan3A_27, %mul3A_84 : i32
      %add3A_86 = arith.constant 3 : i32
      %add3A_87 = arith.addi %mul3A_85, %add3A_86 : i32
      %broadcast_in_dim3A_88 = vector.broadcast %add3A_87 : i32 to vector<16xi32>
      %gather3A_89 = tpu.vector_load_idx %arg20[%broadcast_in_dim3A_88] : memref<640xf32, #tpu.memory_space<vmem>>[vector<16xi32>], vector<16xf32>,
      %swap3A_90 = arith.index_cast %add3A_87 : i32 to index
      %swap3A_91 = arith.constant 0 : index
      %swap3A_92 = tpu.vector_load %arg21[%swap3A_90, %swap3A_91] {strides = array<i32>} : memref<640x16xf32, #tpu.memory_space<vmem>>, vector<16xf32>,
      tpu.vector_store %arg21[%swap3A_90, %swap3A_91], %gather3A_89 {strides = array<i32>} : memref<640x16xf32, #tpu.memory_space<vmem>>, vector<16xf32>,
      %get3A_93 = arith.index_cast %add3A_87 : i32 to index
      %get3A_94 = arith.constant 0 : index
      %get3A_95 = tpu.vector_load %arg22[%get3A_93, %get3A_94] {strides = array<i32>} : memref<640x16xf32, #tpu.memory_space<vmem>>, vector<16xf32>,
      %mul3A_96 = arith.mulf %gather3A_89, %get3A_95 : vector<16xf32>
      %swap3A_97 = arith.index_cast %add3A_87 : i32 to index
      %swap3A_98 = arith.constant 0 : index
      %swap3A_99 = tpu.vector_load %arg23[%swap3A_97, %swap3A_98] {strides = array<i32>} : memref<640x16xf32, #tpu.memory_space<vmem>>, vector<16xf32>,
      tpu.vector_store %arg23[%swap3A_97, %swap3A_98], %mul3A_96 {strides = array<i32>} : memref<640x16xf32, #tpu.memory_space<vmem>>, vector<16xf32>,
      %mul3A_100 = arith.mulf %get3A_15, %get3A_95 : vector<16xf32>
      %swap3A_101 = arith.index_cast %add3A_87 : i32 to index
      %swap3A_102 = arith.constant 0 : index
      %swap3A_103 = tpu.vector_load %arg24[%swap3A_101, %swap3A_102] {strides = array<i32>} : memref<640x16xf32, #tpu.memory_space<vmem>>, vector<16xf32>,
      tpu.vector_store %arg24[%swap3A_101, %swap3A_102], %mul3A_100 {strides = array<i32>} : memref<640x16xf32, #tpu.memory_space<vmem>>, vector<16xf32>,
    }
    %scan3A_20 = arith.constant 160 : i32
    "tpu.region"() ({
      %run_scoped3A = tpu.sem_alloc : memref<!tpu.dma_semaphore, #tpu.memory_space<semaphore_mem>>
      %dma_start3A = arith.constant 0 : i32
      %dma_start3A_27 = tpu.memref_slice %arg10[%mul3A_0, %dma_start3A] : memref<10240x16xf32, #tpu.memory_space<hbm>> -> memref<640x16xf32, #tpu.memory_space<hbm>>
      %dma_start3A_28 = arith.constant 0 : i32
      %dma_start3A_29 = tpu.memref_slice %arg10[%mul3A_0, %dma_start3A_28] : memref<10240x16xf32, #tpu.memory_space<hbm>> -> memref<640x16xf32, #tpu.memory_space<hbm>>
      tpu.enqueue_dma source(%arg23 : memref<640x16xf32, #tpu.memory_space<vmem>>) target(%dma_start3A_29 : memref<640x16xf32, #tpu.memory_space<hbm>>) target_semaphore(%run_scoped3A : memref<!tpu.dma_semaphore, #tpu.memory_space<semaphore_mem>>)
      %dma_wait3A = arith.constant 0 : i32
      %dma_wait3A_30 = tpu.memref_slice %arg10[%mul3A_0, %dma_wait3A] : memref<10240x16xf32, #tpu.memory_space<hbm>> -> memref<640x16xf32, #tpu.memory_space<hbm>>
      %dma_wait3A_31 = arith.constant 0 : i32
      %dma_wait3A_32 = tpu.memref_slice %arg10[%mul3A_0, %dma_wait3A_31] : memref<10240x16xf32, #tpu.memory_space<hbm>> -> memref<640x16xf32, #tpu.memory_space<hbm>>
      tpu.wait_dma2 semaphore(%run_scoped3A : memref<!tpu.dma_semaphore, #tpu.memory_space<semaphore_mem>>) src(%arg23 : memref<640x16xf32, #tpu.memory_space<vmem>>) dst(%dma_wait3A_32 : memref<640x16xf32, #tpu.memory_space<hbm>>)
      tpu.yield
    }) : () -> ()
    %barrier3A_21 = arith.constant 0 : index
    tpu.barrier barrier_id(%barrier3A_21)
    %scan3A_22 = arith.constant 0 : i32
    %scan3A_23 = arith.constant 10 : i32
    %scan3A_24 = arith.addi %scan3A_22, %scan3A_23 : i32
    %scan3A_25 = arith.constant 1 : i32
    scf.for %scan3A_27 = %scan3A_22 to %scan3A_24 step %scan3A_25  : i32 {
      %add3A = arith.constant 0 : i32
      %add3A_28 = arith.addi %mul3A_2, %add3A : i32
      %dma_start3A = arith.constant 0 : i32
      %dma_start3A_29 = tpu.memref_slice %arg11[%add3A_28, %dma_start3A] : memref<10240x16xf32, #tpu.memory_space<vmem_shared>> -> memref<160x16xf32, #tpu.memory_space<vmem_shared>>
      %dma_start3A_30 = arith.constant 0 : i32
      %dma_start3A_31 = tpu.memref_slice %arg11[%add3A_28, %dma_start3A_30] : memref<10240x16xf32, #tpu.memory_space<vmem_shared>> -> memref<160x16xf32, #tpu.memory_space<vmem_shared>>
      tpu.enqueue_dma source(%arg19 : memref<160x16xf32, #tpu.memory_space<vmem>>) target(%dma_start3A_31 : memref<160x16xf32, #tpu.memory_space<vmem_shared>>) target_semaphore(%arg25 : memref<!tpu.dma_semaphore, #tpu.memory_space<semaphore_mem>>)
      %add3A_32 = arith.constant 160 : i32
      %add3A_33 = arith.addi %mul3A_2, %add3A_32 : i32
      %dma_start3A_34 = arith.constant 0 : i32
      %dma_start3A_35 = tpu.memref_slice %arg11[%add3A_33, %dma_start3A_34] : memref<10240x16xf32, #tpu.memory_space<vmem_shared>> -> memref<160x16xf32, #tpu.memory_space<vmem_shared>>
      %dma_start3A_36 = arith.constant 0 : i32
      %dma_start3A_37 = tpu.memref_slice %arg11[%add3A_33, %dma_start3A_36] : memref<10240x16xf32, #tpu.memory_space<vmem_shared>> -> memref<160x16xf32, #tpu.memory_space<vmem_shared>>
      tpu.enqueue_dma source(%arg19 : memref<160x16xf32, #tpu.memory_space<vmem>>) target(%dma_start3A_37 : memref<160x16xf32, #tpu.memory_space<vmem_shared>>) target_semaphore(%arg25 : memref<!tpu.dma_semaphore, #tpu.memory_space<semaphore_mem>>)
      %add3A_38 = arith.constant 320 : i32
      %add3A_39 = arith.addi %mul3A_2, %add3A_38 : i32
      %dma_start3A_40 = arith.constant 0 : i32
      %dma_start3A_41 = tpu.memref_slice %arg11[%add3A_39, %dma_start3A_40] : memref<10240x16xf32, #tpu.memory_space<vmem_shared>> -> memref<160x16xf32, #tpu.memory_space<vmem_shared>>
      %dma_start3A_42 = arith.constant 0 : i32
      %dma_start3A_43 = tpu.memref_slice %arg11[%add3A_39, %dma_start3A_42] : memref<10240x16xf32, #tpu.memory_space<vmem_shared>> -> memref<160x16xf32, #tpu.memory_space<vmem_shared>>
      tpu.enqueue_dma source(%arg19 : memref<160x16xf32, #tpu.memory_space<vmem>>) target(%dma_start3A_43 : memref<160x16xf32, #tpu.memory_space<vmem_shared>>) target_semaphore(%arg25 : memref<!tpu.dma_semaphore, #tpu.memory_space<semaphore_mem>>)
      %add3A_44 = arith.constant 480 : i32
      %add3A_45 = arith.addi %mul3A_2, %add3A_44 : i32
      %dma_start3A_46 = arith.constant 0 : i32
      %dma_start3A_47 = tpu.memref_slice %arg11[%add3A_45, %dma_start3A_46] : memref<10240x16xf32, #tpu.memory_space<vmem_shared>> -> memref<160x16xf32, #tpu.memory_space<vmem_shared>>
      %dma_start3A_48 = arith.constant 0 : i32
      %dma_start3A_49 = tpu.memref_slice %arg11[%add3A_45, %dma_start3A_48] : memref<10240x16xf32, #tpu.memory_space<vmem_shared>> -> memref<160x16xf32, #tpu.memory_space<vmem_shared>>
      tpu.enqueue_dma source(%arg19 : memref<160x16xf32, #tpu.memory_space<vmem>>) target(%dma_start3A_49 : memref<160x16xf32, #tpu.memory_space<vmem_shared>>) target_semaphore(%arg25 : memref<!tpu.dma_semaphore, #tpu.memory_space<semaphore_mem>>)
      %add3A_50 = arith.constant 0 : i32
      %add3A_51 = arith.addi %mul3A_2, %add3A_50 : i32
      %dma_wait3A = arith.constant 0 : i32
      %dma_wait3A_52 = tpu.memref_slice %arg11[%add3A_51, %dma_wait3A] : memref<10240x16xf32, #tpu.memory_space<vmem_shared>> -> memref<160x16xf32, #tpu.memory_space<vmem_shared>>
      %dma_wait3A_53 = arith.constant 0 : i32
      %dma_wait3A_54 = tpu.memref_slice %arg11[%add3A_51, %dma_wait3A_53] : memref<10240x16xf32, #tpu.memory_space<vmem_shared>> -> memref<160x16xf32, #tpu.memory_space<vmem_shared>>
      tpu.wait_dma2 semaphore(%arg25 : memref<!tpu.dma_semaphore, #tpu.memory_space<semaphore_mem>>) src(%arg19 : memref<160x16xf32, #tpu.memory_space<vmem>>) dst(%dma_wait3A_54 : memref<160x16xf32, #tpu.memory_space<vmem_shared>>)
      %add3A_55 = arith.constant 160 : i32
      %add3A_56 = arith.addi %mul3A_2, %add3A_55 : i32
      %dma_wait3A_57 = arith.constant 0 : i32
      %dma_wait3A_58 = tpu.memref_slice %arg11[%add3A_56, %dma_wait3A_57] : memref<10240x16xf32, #tpu.memory_space<vmem_shared>> -> memref<160x16xf32, #tpu.memory_space<vmem_shared>>
      %dma_wait3A_59 = arith.constant 0 : i32
      %dma_wait3A_60 = tpu.memref_slice %arg11[%add3A_56, %dma_wait3A_59] : memref<10240x16xf32, #tpu.memory_space<vmem_shared>> -> memref<160x16xf32, #tpu.memory_space<vmem_shared>>
      tpu.wait_dma2 semaphore(%arg25 : memref<!tpu.dma_semaphore, #tpu.memory_space<semaphore_mem>>) src(%arg19 : memref<160x16xf32, #tpu.memory_space<vmem>>) dst(%dma_wait3A_60 : memref<160x16xf32, #tpu.memory_space<vmem_shared>>)
      %add3A_61 = arith.constant 320 : i32
      %add3A_62 = arith.addi %mul3A_2, %add3A_61 : i32
      %dma_wait3A_63 = arith.constant 0 : i32
      %dma_wait3A_64 = tpu.memref_slice %arg11[%add3A_62, %dma_wait3A_63] : memref<10240x16xf32, #tpu.memory_space<vmem_shared>> -> memref<160x16xf32, #tpu.memory_space<vmem_shared>>
      %dma_wait3A_65 = arith.constant 0 : i32
      %dma_wait3A_66 = tpu.memref_slice %arg11[%add3A_62, %dma_wait3A_65] : memref<10240x16xf32, #tpu.memory_space<vmem_shared>> -> memref<160x16xf32, #tpu.memory_space<vmem_shared>>
      tpu.wait_dma2 semaphore(%arg25 : memref<!tpu.dma_semaphore, #tpu.memory_space<semaphore_mem>>) src(%arg19 : memref<160x16xf32, #tpu.memory_space<vmem>>) dst(%dma_wait3A_66 : memref<160x16xf32, #tpu.memory_space<vmem_shared>>)
      %add3A_67 = arith.constant 480 : i32
      %add3A_68 = arith.addi %mul3A_2, %add3A_67 : i32
      %dma_wait3A_69 = arith.constant 0 : i32
      %dma_wait3A_70 = tpu.memref_slice %arg11[%add3A_68, %dma_wait3A_69] : memref<10240x16xf32, #tpu.memory_space<vmem_shared>> -> memref<160x16xf32, #tpu.memory_space<vmem_shared>>
      %dma_wait3A_71 = arith.constant 0 : i32
      %dma_wait3A_72 = tpu.memref_slice %arg11[%add3A_68, %dma_wait3A_71] : memref<10240x16xf32, #tpu.memory_space<vmem_shared>> -> memref<160x16xf32, #tpu.memory_space<vmem_shared>>
      tpu.wait_dma2 semaphore(%arg25 : memref<!tpu.dma_semaphore, #tpu.memory_space<semaphore_mem>>) src(%arg19 : memref<160x16xf32, #tpu.memory_space<vmem>>) dst(%dma_wait3A_72 : memref<160x16xf32, #tpu.memory_space<vmem_shared>>)
      %barrier3A_73 = arith.constant 0 : index
      tpu.barrier barrier_id(%barrier3A_73)
      %dma_start3A_74 = arith.constant 0 : i32
      %dma_start3A_75 = arith.constant 0 : i32
      %dma_start3A_76 = arith.constant 0 : i32
      %dma_start3A_77 = arith.constant 0 : i32
      %dma_start3A_78 = arith.constant 0 : i32
      %dma_start3A_79 = tpu.memref_slice %arg15[%dma_start3A_75, %dma_start3A_76, %dma_start3A_77, %dma_start3A_78] : memref<4x2x256x16xf32, #tpu.memory_space<vmem>> -> memref<1x1x256x16xf32, #tpu.memory_space<vmem>>
      %dma_start3A_80 = tpu.memref_squeeze %dma_start3A_79 : memref<1x1x256x16xf32, #tpu.memory_space<vmem>> -> memref<256x16xf32, #tpu.memory_space<vmem>>
      %dma_start3A_81 = arith.constant 0 : i32
      %dma_start3A_82 = tpu.memref_slice %arg13[%dma_start3A_74, %dma_start3A_81] : memref<80x256xi32, #tpu.memory_space<vmem>> -> memref<1x256xi32, #tpu.memory_space<vmem>>
      %dma_start3A_83 = tpu.memref_squeeze %dma_start3A_82 : memref<1x256xi32, #tpu.memory_space<vmem>> -> memref<256xi32, #tpu.memory_space<vmem>>
      %dma_start3A_84 = arith.constant 0 : i32
      %dma_start3A_85 = arith.constant 0 : i32
      %dma_start3A_86 = tpu.memref_slice %arg10[%dma_start3A_84, %dma_start3A_85] : memref<10240x16xf32, #tpu.memory_space<hbm>> -> memref<10240x16xf32, #tpu.memory_space<hbm>>
      tpu.enqueue_indirect_dma source(%dma_start3A_86 : memref<10240x16xf32, #tpu.memory_space<hbm>>) target(%dma_start3A_80 : memref<256x16xf32, #tpu.memory_space<vmem>>) offsets(%dma_start3A_83 : memref<256xi32, #tpu.memory_space<vmem>>) semaphore(%arg25 : memref<!tpu.dma_semaphore, #tpu.memory_space<semaphore_mem>>)
      %dma_start3A_87 = arith.constant 1 : i32
      %dma_start3A_88 = arith.constant 0 : i32
      %dma_start3A_89 = arith.constant 1 : i32
      %dma_start3A_90 = arith.constant 0 : i32
      %dma_start3A_91 = arith.constant 0 : i32
      %dma_start3A_92 = tpu.memref_slice %arg15[%dma_start3A_88, %dma_start3A_89, %dma_start3A_90, %dma_start3A_91] : memref<4x2x256x16xf32, #tpu.memory_space<vmem>> -> memref<1x1x256x16xf32, #tpu.memory_space<vmem>>
      %dma_start3A_93 = tpu.memref_squeeze %dma_start3A_92 : memref<1x1x256x16xf32, #tpu.memory_space<vmem>> -> memref<256x16xf32, #tpu.memory_space<vmem>>
      %dma_start3A_94 = arith.constant 0 : i32
      %dma_start3A_95 = tpu.memref_slice %arg13[%dma_start3A_87, %dma_start3A_94] : memref<80x256xi32, #tpu.memory_space<vmem>> -> memref<1x256xi32, #tpu.memory_space<vmem>>
      %dma_start3A_96 = tpu.memref_squeeze %dma_start3A_95 : memref<1x256xi32, #tpu.memory_space<vmem>> -> memref<256xi32, #tpu.memory_space<vmem>>
      %dma_start3A_97 = arith.constant 0 : i32
      %dma_start3A_98 = arith.constant 0 : i32
      %dma_start3A_99 = tpu.memref_slice %arg10[%dma_start3A_97, %dma_start3A_98] : memref<10240x16xf32, #tpu.memory_space<hbm>> -> memref<10240x16xf32, #tpu.memory_space<hbm>>
      tpu.enqueue_indirect_dma source(%dma_start3A_99 : memref<10240x16xf32, #tpu.memory_space<hbm>>) target(%dma_start3A_93 : memref<256x16xf32, #tpu.memory_space<vmem>>) offsets(%dma_start3A_96 : memref<256xi32, #tpu.memory_space<vmem>>) semaphore(%arg25 : memref<!tpu.dma_semaphore, #tpu.memory_space<semaphore_mem>>)
      %dma_start3A_100 = arith.constant 2 : i32
      %dma_start3A_101 = arith.constant 1 : i32
      %dma_start3A_102 = arith.constant 0 : i32
      %dma_start3A_103 = arith.constant 0 : i32
      %dma_start3A_104 = arith.constant 0 : i32
      %dma_start3A_105 = tpu.memref_slice %arg15[%dma_start3A_101, %dma_start3A_102, %dma_start3A_103, %dma_start3A_104] : memref<4x2x256x16xf32, #tpu.memory_space<vmem>> -> memref<1x1x256x16xf32, #tpu.memory_space<vmem>>
      %dma_start3A_106 = tpu.memref_squeeze %dma_start3A_105 : memref<1x1x256x16xf32, #tpu.memory_space<vmem>> -> memref<256x16xf32, #tpu.memory_space<vmem>>
      %dma_start3A_107 = arith.constant 0 : i32
      %dma_start3A_108 = tpu.memref_slice %arg13[%dma_start3A_100, %dma_start3A_107] : memref<80x256xi32, #tpu.memory_space<vmem>> -> memref<1x256xi32, #tpu.memory_space<vmem>>
      %dma_start3A_109 = tpu.memref_squeeze %dma_start3A_108 : memref<1x256xi32, #tpu.memory_space<vmem>> -> memref<256xi32, #tpu.memory_space<vmem>>
      %dma_start3A_110 = arith.constant 0 : i32
      %dma_start3A_111 = arith.constant 0 : i32
      %dma_start3A_112 = tpu.memref_slice %arg10[%dma_start3A_110, %dma_start3A_111] : memref<10240x16xf32, #tpu.memory_space<hbm>> -> memref<10240x16xf32, #tpu.memory_space<hbm>>
      tpu.enqueue_indirect_dma source(%dma_start3A_112 : memref<10240x16xf32, #tpu.memory_space<hbm>>) target(%dma_start3A_106 : memref<256x16xf32, #tpu.memory_space<vmem>>) offsets(%dma_start3A_109 : memref<256xi32, #tpu.memory_space<vmem>>) semaphore(%arg26 : memref<!tpu.dma_semaphore, #tpu.memory_space<semaphore_mem>>)
      %dma_start3A_113 = arith.constant 3 : i32
      %dma_start3A_114 = arith.constant 1 : i32
      %dma_start3A_115 = arith.constant 1 : i32
      %dma_start3A_116 = arith.constant 0 : i32
      %dma_start3A_117 = arith.constant 0 : i32
      %dma_start3A_118 = tpu.memref_slice %arg15[%dma_start3A_114, %dma_start3A_115, %dma_start3A_116, %dma_start3A_117] : memref<4x2x256x16xf32, #tpu.memory_space<vmem>> -> memref<1x1x256x16xf32, #tpu.memory_space<vmem>>
      %dma_start3A_119 = tpu.memref_squeeze %dma_start3A_118 : memref<1x1x256x16xf32, #tpu.memory_space<vmem>> -> memref<256x16xf32, #tpu.memory_space<vmem>>
      %dma_start3A_120 = arith.constant 0 : i32
      %dma_start3A_121 = tpu.memref_slice %arg13[%dma_start3A_113, %dma_start3A_120] : memref<80x256xi32, #tpu.memory_space<vmem>> -> memref<1x256xi32, #tpu.memory_space<vmem>>
      %dma_start3A_122 = tpu.memref_squeeze %dma_start3A_121 : memref<1x256xi32, #tpu.memory_space<vmem>> -> memref<256xi32, #tpu.memory_space<vmem>>
      %dma_start3A_123 = arith.constant 0 : i32
      %dma_start3A_124 = arith.constant 0 : i32
      %dma_start3A_125 = tpu.memref_slice %arg10[%dma_start3A_123, %dma_start3A_124] : memref<10240x16xf32, #tpu.memory_space<hbm>> -> memref<10240x16xf32, #tpu.memory_space<hbm>>
      tpu.enqueue_indirect_dma source(%dma_start3A_125 : memref<10240x16xf32, #tpu.memory_space<hbm>>) target(%dma_start3A_119 : memref<256x16xf32, #tpu.memory_space<vmem>>) offsets(%dma_start3A_122 : memref<256xi32, #tpu.memory_space<vmem>>) semaphore(%arg26 : memref<!tpu.dma_semaphore, #tpu.memory_space<semaphore_mem>>)
      %dma_start3A_126 = arith.constant 4 : i32
      %dma_start3A_127 = arith.constant 2 : i32
      %dma_start3A_128 = arith.constant 0 : i32
      %dma_start3A_129 = arith.constant 0 : i32
      %dma_start3A_130 = arith.constant 0 : i32
      %dma_start3A_131 = tpu.memref_slice %arg15[%dma_start3A_127, %dma_start3A_128, %dma_start3A_129, %dma_start3A_130] : memref<4x2x256x16xf32, #tpu.memory_space<vmem>> -> memref<1x1x256x16xf32, #tpu.memory_space<vmem>>
      %dma_start3A_132 = tpu.memref_squeeze %dma_start3A_131 : memref<1x1x256x16xf32, #tpu.memory_space<vmem>> -> memref<256x16xf32, #tpu.memory_space<vmem>>
      %dma_start3A_133 = arith.constant 0 : i32
      %dma_start3A_134 = tpu.memref_slice %arg13[%dma_start3A_126, %dma_start3A_133] : memref<80x256xi32, #tpu.memory_space<vmem>> -> memref<1x256xi32, #tpu.memory_space<vmem>>
      %dma_start3A_135 = tpu.memref_squeeze %dma_start3A_134 : memref<1x256xi32, #tpu.memory_space<vmem>> -> memref<256xi32, #tpu.memory_space<vmem>>
      %dma_start3A_136 = arith.constant 0 : i32
      %dma_start3A_137 = arith.constant 0 : i32
      %dma_start3A_138 = tpu.memref_slice %arg10[%dma_start3A_136, %dma_start3A_137] : memref<10240x16xf32, #tpu.memory_space<hbm>> -> memref<10240x16xf32, #tpu.memory_space<hbm>>
      tpu.enqueue_indirect_dma source(%dma_start3A_138 : memref<10240x16xf32, #tpu.memory_space<hbm>>) target(%dma_start3A_132 : memref<256x16xf32, #tpu.memory_space<vmem>>) offsets(%dma_start3A_135 : memref<256xi32, #tpu.memory_space<vmem>>) semaphore(%arg27 : memref<!tpu.dma_semaphore, #tpu.memory_space<semaphore_mem>>)
      %dma_start3A_139 = arith.constant 5 : i32
      %dma_start3A_140 = arith.constant 2 : i32
      %dma_start3A_141 = arith.constant 1 : i32
      %dma_start3A_142 = arith.constant 0 : i32
      %dma_start3A_143 = arith.constant 0 : i32
      %dma_start3A_144 = tpu.memref_slice %arg15[%dma_start3A_140, %dma_start3A_141, %dma_start3A_142, %dma_start3A_143] : memref<4x2x256x16xf32, #tpu.memory_space<vmem>> -> memref<1x1x256x16xf32, #tpu.memory_space<vmem>>
      %dma_start3A_145 = tpu.memref_squeeze %dma_start3A_144 : memref<1x1x256x16xf32, #tpu.memory_space<vmem>> -> memref<256x16xf32, #tpu.memory_space<vmem>>
      %dma_start3A_146 = arith.constant 0 : i32
      %dma_start3A_147 = tpu.memref_slice %arg13[%dma_start3A_139, %dma_start3A_146] : memref<80x256xi32, #tpu.memory_space<vmem>> -> memref<1x256xi32, #tpu.memory_space<vmem>>
      %dma_start3A_148 = tpu.memref_squeeze %dma_start3A_147 : memref<1x256xi32, #tpu.memory_space<vmem>> -> memref<256xi32, #tpu.memory_space<vmem>>
      %dma_start3A_149 = arith.constant 0 : i32
      %dma_start3A_150 = arith.constant 0 : i32
      %dma_start3A_151 = tpu.memref_slice %arg10[%dma_start3A_149, %dma_start3A_150] : memref<10240x16xf32, #tpu.memory_space<hbm>> -> memref<10240x16xf32, #tpu.memory_space<hbm>>
      tpu.enqueue_indirect_dma source(%dma_start3A_151 : memref<10240x16xf32, #tpu.memory_space<hbm>>) target(%dma_start3A_145 : memref<256x16xf32, #tpu.memory_space<vmem>>) offsets(%dma_start3A_148 : memref<256xi32, #tpu.memory_space<vmem>>) semaphore(%arg27 : memref<!tpu.dma_semaphore, #tpu.memory_space<semaphore_mem>>)
      %dma_start3A_152 = arith.constant 6 : i32
      %dma_start3A_153 = arith.constant 3 : i32
      %dma_start3A_154 = arith.constant 0 : i32
      %dma_start3A_155 = arith.constant 0 : i32
      %dma_start3A_156 = arith.constant 0 : i32
      %dma_start3A_157 = tpu.memref_slice %arg15[%dma_start3A_153, %dma_start3A_154, %dma_start3A_155, %dma_start3A_156] : memref<4x2x256x16xf32, #tpu.memory_space<vmem>> -> memref<1x1x256x16xf32, #tpu.memory_space<vmem>>
      %dma_start3A_158 = tpu.memref_squeeze %dma_start3A_157 : memref<1x1x256x16xf32, #tpu.memory_space<vmem>> -> memref<256x16xf32, #tpu.memory_space<vmem>>
      %dma_start3A_159 = arith.constant 0 : i32
      %dma_start3A_160 = tpu.memref_slice %arg13[%dma_start3A_152, %dma_start3A_159] : memref<80x256xi32, #tpu.memory_space<vmem>> -> memref<1x256xi32, #tpu.memory_space<vmem>>
      %dma_start3A_161 = tpu.memref_squeeze %dma_start3A_160 : memref<1x256xi32, #tpu.memory_space<vmem>> -> memref<256xi32, #tpu.memory_space<vmem>>
      %dma_start3A_162 = arith.constant 0 : i32
      %dma_start3A_163 = arith.constant 0 : i32
      %dma_start3A_164 = tpu.memref_slice %arg10[%dma_start3A_162, %dma_start3A_163] : memref<10240x16xf32, #tpu.memory_space<hbm>> -> memref<10240x16xf32, #tpu.memory_space<hbm>>
      tpu.enqueue_indirect_dma source(%dma_start3A_164 : memref<10240x16xf32, #tpu.memory_space<hbm>>) target(%dma_start3A_158 : memref<256x16xf32, #tpu.memory_space<vmem>>) offsets(%dma_start3A_161 : memref<256xi32, #tpu.memory_space<vmem>>) semaphore(%arg28 : memref<!tpu.dma_semaphore, #tpu.memory_space<semaphore_mem>>)
      %dma_start3A_165 = arith.constant 7 : i32
      %dma_start3A_166 = arith.constant 3 : i32
      %dma_start3A_167 = arith.constant 1 : i32
      %dma_start3A_168 = arith.constant 0 : i32
      %dma_start3A_169 = arith.constant 0 : i32
      %dma_start3A_170 = tpu.memref_slice %arg15[%dma_start3A_166, %dma_start3A_167, %dma_start3A_168, %dma_start3A_169] : memref<4x2x256x16xf32, #tpu.memory_space<vmem>> -> memref<1x1x256x16xf32, #tpu.memory_space<vmem>>
      %dma_start3A_171 = tpu.memref_squeeze %dma_start3A_170 : memref<1x1x256x16xf32, #tpu.memory_space<vmem>> -> memref<256x16xf32, #tpu.memory_space<vmem>>
      %dma_start3A_172 = arith.constant 0 : i32
      %dma_start3A_173 = tpu.memref_slice %arg13[%dma_start3A_165, %dma_start3A_172] : memref<80x256xi32, #tpu.memory_space<vmem>> -> memref<1x256xi32, #tpu.memory_space<vmem>>
      %dma_start3A_174 = tpu.memref_squeeze %dma_start3A_173 : memref<1x256xi32, #tpu.memory_space<vmem>> -> memref<256xi32, #tpu.memory_space<vmem>>
      %dma_start3A_175 = arith.constant 0 : i32
      %dma_start3A_176 = arith.constant 0 : i32
      %dma_start3A_177 = tpu.memref_slice %arg10[%dma_start3A_175, %dma_start3A_176] : memref<10240x16xf32, #tpu.memory_space<hbm>> -> memref<10240x16xf32, #tpu.memory_space<hbm>>
      tpu.enqueue_indirect_dma source(%dma_start3A_177 : memref<10240x16xf32, #tpu.memory_space<hbm>>) target(%dma_start3A_171 : memref<256x16xf32, #tpu.memory_space<vmem>>) offsets(%dma_start3A_174 : memref<256xi32, #tpu.memory_space<vmem>>) semaphore(%arg28 : memref<!tpu.dma_semaphore, #tpu.memory_space<semaphore_mem>>)
      %scan3A_178 = arith.constant 0 : i32
      %scan3A_179 = arith.constant 10 : i32
      %scan3A_180 = arith.addi %scan3A_178, %scan3A_179 : i32
      %scan3A_181 = arith.constant 1 : i32
      scf.for %scan3A_195 = %scan3A_178 to %scan3A_180 step %scan3A_181  : i32 {
        %mul3A_196 = arith.constant 4 : i32
        %mul3A_197 = arith.muli %scan3A_195, %mul3A_196 : i32
        %dma_wait3A_198 = arith.constant 0 : i32
        %dma_wait3A_199 = arith.constant 0 : i32
        %dma_wait3A_200 = arith.constant 0 : i32
        %dma_wait3A_201 = arith.constant 0 : i32
        %dma_wait3A_202 = tpu.memref_slice %arg15[%dma_wait3A_198, %dma_wait3A_199, %dma_wait3A_200, %dma_wait3A_201] : memref<4x2x256x16xf32, #tpu.memory_space<vmem>> -> memref<1x1x256x16xf32, #tpu.memory_space<vmem>>
        %dma_wait3A_203 = tpu.memref_squeeze %dma_wait3A_202 : memref<1x1x256x16xf32, #tpu.memory_space<vmem>> -> memref<256x16xf32, #tpu.memory_space<vmem>>
        %dma_wait3A_204 = arith.constant 0 : i32
        %dma_wait3A_205 = arith.constant 0 : i32
        %dma_wait3A_206 = tpu.memref_slice %arg10[%dma_wait3A_204, %dma_wait3A_205] : memref<10240x16xf32, #tpu.memory_space<hbm>> -> memref<256x16xf32, #tpu.memory_space<hbm>>
        %dma_wait3A_207 = arith.constant 0 : i32
        %dma_wait3A_208 = arith.constant 0 : i32
        %dma_wait3A_209 = tpu.memref_slice %arg15[%dma_wait3A_198, %dma_wait3A_199, %dma_wait3A_207, %dma_wait3A_208] : memref<4x2x256x16xf32, #tpu.memory_space<vmem>> -> memref<1x1x256x16xf32, #tpu.memory_space<vmem>>
        %dma_wait3A_210 = tpu.memref_squeeze %dma_wait3A_209 : memref<1x1x256x16xf32, #tpu.memory_space<vmem>> -> memref<256x16xf32, #tpu.memory_space<vmem>>
        %dma_wait3A_211 = arith.constant 0 : i32
        %dma_wait3A_212 = arith.constant 0 : i32
        %dma_wait3A_213 = tpu.memref_slice %arg10[%dma_wait3A_211, %dma_wait3A_212] : memref<10240x16xf32, #tpu.memory_space<hbm>> -> memref<256x16xf32, #tpu.memory_space<hbm>>
        tpu.wait_dma2 semaphore(%arg25 : memref<!tpu.dma_semaphore, #tpu.memory_space<semaphore_mem>>) src(%dma_wait3A_213 : memref<256x16xf32, #tpu.memory_space<hbm>>) dst(%dma_wait3A_210 : memref<256x16xf32, #tpu.memory_space<vmem>>)
        %dma_wait3A_214 = arith.constant 0 : i32
        %dma_wait3A_215 = arith.constant 1 : i32
        %dma_wait3A_216 = arith.constant 0 : i32
        %dma_wait3A_217 = arith.constant 0 : i32
        %dma_wait3A_218 = tpu.memref_slice %arg15[%dma_wait3A_214, %dma_wait3A_215, %dma_wait3A_216, %dma_wait3A_217] : memref<4x2x256x16xf32, #tpu.memory_space<vmem>> -> memref<1x1x256x16xf32, #tpu.memory_space<vmem>>
        %dma_wait3A_219 = tpu.memref_squeeze %dma_wait3A_218 : memref<1x1x256x16xf32, #tpu.memory_space<vmem>> -> memref<256x16xf32, #tpu.memory_space<vmem>>
        %dma_wait3A_220 = arith.constant 0 : i32
        %dma_wait3A_221 = arith.constant 0 : i32
        %dma_wait3A_222 = tpu.memref_slice %arg10[%dma_wait3A_220, %dma_wait3A_221] : memref<10240x16xf32, #tpu.memory_space<hbm>> -> memref<256x16xf32, #tpu.memory_space<hbm>>
        %dma_wait3A_223 = arith.constant 0 : i32
        %dma_wait3A_224 = arith.constant 0 : i32
        %dma_wait3A_225 = tpu.memref_slice %arg15[%dma_wait3A_214, %dma_wait3A_215, %dma_wait3A_223, %dma_wait3A_224] : memref<4x2x256x16xf32, #tpu.memory_space<vmem>> -> memref<1x1x256x16xf32, #tpu.memory_space<vmem>>
        %dma_wait3A_226 = tpu.memref_squeeze %dma_wait3A_225 : memref<1x1x256x16xf32, #tpu.memory_space<vmem>> -> memref<256x16xf32, #tpu.memory_space<vmem>>
        %dma_wait3A_227 = arith.constant 0 : i32
        %dma_wait3A_228 = arith.constant 0 : i32
        %dma_wait3A_229 = tpu.memref_slice %arg10[%dma_wait3A_227, %dma_wait3A_228] : memref<10240x16xf32, #tpu.memory_space<hbm>> -> memref<256x16xf32, #tpu.memory_space<hbm>>
        tpu.wait_dma2 semaphore(%arg25 : memref<!tpu.dma_semaphore, #tpu.memory_space<semaphore_mem>>) src(%dma_wait3A_229 : memref<256x16xf32, #tpu.memory_space<hbm>>) dst(%dma_wait3A_226 : memref<256x16xf32, #tpu.memory_space<vmem>>)
        %add3A_230 = arith.constant 0 : i32
        %add3A_231 = arith.addi %mul3A_197, %add3A_230 : i32
        %mul3A_232 = arith.constant 2 : i32
        %mul3A_233 = arith.muli %add3A_231, %mul3A_232 : i32
        %add3A_234 = arith.constant 0 : i32
        %add3A_235 = arith.addi %mul3A_233, %add3A_234 : i32
        %dma_start3A_236 = arith.constant 0 : i32
        %dma_start3A_237 = arith.constant 0 : i32
        %dma_start3A_238 = arith.constant 0 : i32
        %dma_start3A_239 = arith.constant 0 : i32
        %dma_start3A_240 = tpu.memref_slice %arg15[%dma_start3A_236, %dma_start3A_237, %dma_start3A_238, %dma_start3A_239] : memref<4x2x256x16xf32, #tpu.memory_space<vmem>> -> memref<1x1x256x16xf32, #tpu.memory_space<vmem>>
        %dma_start3A_241 = tpu.memref_squeeze %dma_start3A_240 : memref<1x1x256x16xf32, #tpu.memory_space<vmem>> -> memref<256x16xf32, #tpu.memory_space<vmem>>
        %dma_start3A_242 = arith.constant 0 : i32
        %dma_start3A_243 = tpu.memref_slice %arg14[%add3A_235, %dma_start3A_242] : memref<80x256xi32, #tpu.memory_space<vmem>> -> memref<1x256xi32, #tpu.memory_space<vmem>>
        %dma_start3A_244 = tpu.memref_squeeze %dma_start3A_243 : memref<1x256xi32, #tpu.memory_space<vmem>> -> memref<256xi32, #tpu.memory_space<vmem>>
        %dma_start3A_245 = arith.constant 0 : i32
        %dma_start3A_246 = arith.constant 0 : i32
        %dma_start3A_247 = tpu.memref_slice %arg11[%dma_start3A_245, %dma_start3A_246] : memref<10240x16xf32, #tpu.memory_space<vmem_shared>> -> memref<10240x16xf32, #tpu.memory_space<vmem_shared>>
        tpu.enqueue_indirect_dma source(%dma_start3A_241 : memref<256x16xf32, #tpu.memory_space<vmem>>) target(%dma_start3A_247 : memref<10240x16xf32, #tpu.memory_space<vmem_shared>>) offsets(%dma_start3A_244 : memref<256xi32, #tpu.memory_space<vmem>>) semaphore(%arg29 : memref<!tpu.dma_semaphore, #tpu.memory_space<semaphore_mem>>) {add = true}
        %mul3A_248 = arith.constant 2 : i32
        %mul3A_249 = arith.muli %add3A_231, %mul3A_248 : i32
        %add3A_250 = arith.constant 1 : i32
        %add3A_251 = arith.addi %mul3A_249, %add3A_250 : i32
        %dma_start3A_252 = arith.constant 0 : i32
        %dma_start3A_253 = arith.constant 1 : i32
        %dma_start3A_254 = arith.constant 0 : i32
        %dma_start3A_255 = arith.constant 0 : i32
        %dma_start3A_256 = tpu.memref_slice %arg15[%dma_start3A_252, %dma_start3A_253, %dma_start3A_254, %dma_start3A_255] : memref<4x2x256x16xf32, #tpu.memory_space<vmem>> -> memref<1x1x256x16xf32, #tpu.memory_space<vmem>>
        %dma_start3A_257 = tpu.memref_squeeze %dma_start3A_256 : memref<1x1x256x16xf32, #tpu.memory_space<vmem>> -> memref<256x16xf32, #tpu.memory_space<vmem>>
        %dma_start3A_258 = arith.constant 0 : i32
        %dma_start3A_259 = tpu.memref_slice %arg14[%add3A_251, %dma_start3A_258] : memref<80x256xi32, #tpu.memory_space<vmem>> -> memref<1x256xi32, #tpu.memory_space<vmem>>
        %dma_start3A_260 = tpu.memref_squeeze %dma_start3A_259 : memref<1x256xi32, #tpu.memory_space<vmem>> -> memref<256xi32, #tpu.memory_space<vmem>>
        %dma_start3A_261 = arith.constant 0 : i32
        %dma_start3A_262 = arith.constant 0 : i32
        %dma_start3A_263 = tpu.memref_slice %arg11[%dma_start3A_261, %dma_start3A_262] : memref<10240x16xf32, #tpu.memory_space<vmem_shared>> -> memref<10240x16xf32, #tpu.memory_space<vmem_shared>>
        tpu.enqueue_indirect_dma source(%dma_start3A_257 : memref<256x16xf32, #tpu.memory_space<vmem>>) target(%dma_start3A_263 : memref<10240x16xf32, #tpu.memory_space<vmem_shared>>) offsets(%dma_start3A_260 : memref<256xi32, #tpu.memory_space<vmem>>) semaphore(%arg29 : memref<!tpu.dma_semaphore, #tpu.memory_space<semaphore_mem>>) {add = true}
        %dma_wait3A_264 = arith.constant 1 : i32
        %dma_wait3A_265 = arith.constant 0 : i32
        %dma_wait3A_266 = arith.constant 0 : i32
        %dma_wait3A_267 = arith.constant 0 : i32
        %dma_wait3A_268 = tpu.memref_slice %arg15[%dma_wait3A_264, %dma_wait3A_265, %dma_wait3A_266, %dma_wait3A_267] : memref<4x2x256x16xf32, #tpu.memory_space<vmem>> -> memref<1x1x256x16xf32, #tpu.memory_space<vmem>>
        %dma_wait3A_269 = tpu.memref_squeeze %dma_wait3A_268 : memref<1x1x256x16xf32, #tpu.memory_space<vmem>> -> memref<256x16xf32, #tpu.memory_space<vmem>>
        %dma_wait3A_270 = arith.constant 0 : i32
        %dma_wait3A_271 = arith.constant 0 : i32
        %dma_wait3A_272 = tpu.memref_slice %arg10[%dma_wait3A_270, %dma_wait3A_271] : memref<10240x16xf32, #tpu.memory_space<hbm>> -> memref<256x16xf32, #tpu.memory_space<hbm>>
        %dma_wait3A_273 = arith.constant 0 : i32
        %dma_wait3A_274 = arith.constant 0 : i32
        %dma_wait3A_275 = tpu.memref_slice %arg15[%dma_wait3A_264, %dma_wait3A_265, %dma_wait3A_273, %dma_wait3A_274] : memref<4x2x256x16xf32, #tpu.memory_space<vmem>> -> memref<1x1x256x16xf32, #tpu.memory_space<vmem>>
        %dma_wait3A_276 = tpu.memref_squeeze %dma_wait3A_275 : memref<1x1x256x16xf32, #tpu.memory_space<vmem>> -> memref<256x16xf32, #tpu.memory_space<vmem>>
        %dma_wait3A_277 = arith.constant 0 : i32
        %dma_wait3A_278 = arith.constant 0 : i32
        %dma_wait3A_279 = tpu.memref_slice %arg10[%dma_wait3A_277, %dma_wait3A_278] : memref<10240x16xf32, #tpu.memory_space<hbm>> -> memref<256x16xf32, #tpu.memory_space<hbm>>
        tpu.wait_dma2 semaphore(%arg26 : memref<!tpu.dma_semaphore, #tpu.memory_space<semaphore_mem>>) src(%dma_wait3A_279 : memref<256x16xf32, #tpu.memory_space<hbm>>) dst(%dma_wait3A_276 : memref<256x16xf32, #tpu.memory_space<vmem>>)
        %dma_wait3A_280 = arith.constant 1 : i32
        %dma_wait3A_281 = arith.constant 1 : i32
        %dma_wait3A_282 = arith.constant 0 : i32
        %dma_wait3A_283 = arith.constant 0 : i32
        %dma_wait3A_284 = tpu.memref_slice %arg15[%dma_wait3A_280, %dma_wait3A_281, %dma_wait3A_282, %dma_wait3A_283] : memref<4x2x256x16xf32, #tpu.memory_space<vmem>> -> memref<1x1x256x16xf32, #tpu.memory_space<vmem>>
        %dma_wait3A_285 = tpu.memref_squeeze %dma_wait3A_284 : memref<1x1x256x16xf32, #tpu.memory_space<vmem>> -> memref<256x16xf32, #tpu.memory_space<vmem>>
        %dma_wait3A_286 = arith.constant 0 : i32
        %dma_wait3A_287 = arith.constant 0 : i32
        %dma_wait3A_288 = tpu.memref_slice %arg10[%dma_wait3A_286, %dma_wait3A_287] : memref<10240x16xf32, #tpu.memory_space<hbm>> -> memref<256x16xf32, #tpu.memory_space<hbm>>
        %dma_wait3A_289 = arith.constant 0 : i32
        %dma_wait3A_290 = arith.constant 0 : i32
        %dma_wait3A_291 = tpu.memref_slice %arg15[%dma_wait3A_280, %dma_wait3A_281, %dma_wait3A_289, %dma_wait3A_290] : memref<4x2x256x16xf32, #tpu.memory_space<vmem>> -> memref<1x1x256x16xf32, #tpu.memory_space<vmem>>
        %dma_wait3A_292 = tpu.memref_squeeze %dma_wait3A_291 : memref<1x1x256x16xf32, #tpu.memory_space<vmem>> -> memref<256x16xf32, #tpu.memory_space<vmem>>
        %dma_wait3A_293 = arith.constant 0 : i32
        %dma_wait3A_294 = arith.constant 0 : i32
        %dma_wait3A_295 = tpu.memref_slice %arg10[%dma_wait3A_293, %dma_wait3A_294] : memref<10240x16xf32, #tpu.memory_space<hbm>> -> memref<256x16xf32, #tpu.memory_space<hbm>>
        tpu.wait_dma2 semaphore(%arg26 : memref<!tpu.dma_semaphore, #tpu.memory_space<semaphore_mem>>) src(%dma_wait3A_295 : memref<256x16xf32, #tpu.memory_space<hbm>>) dst(%dma_wait3A_292 : memref<256x16xf32, #tpu.memory_space<vmem>>)
        %add3A_296 = arith.constant 1 : i32
        %add3A_297 = arith.addi %mul3A_197, %add3A_296 : i32
        %mul3A_298 = arith.constant 2 : i32
        %mul3A_299 = arith.muli %add3A_297, %mul3A_298 : i32
        %add3A_300 = arith.constant 0 : i32
        %add3A_301 = arith.addi %mul3A_299, %add3A_300 : i32
        %dma_start3A_302 = arith.constant 1 : i32
        %dma_start3A_303 = arith.constant 0 : i32
        %dma_start3A_304 = arith.constant 0 : i32
        %dma_start3A_305 = arith.constant 0 : i32
        %dma_start3A_306 = tpu.memref_slice %arg15[%dma_start3A_302, %dma_start3A_303, %dma_start3A_304, %dma_start3A_305] : memref<4x2x256x16xf32, #tpu.memory_space<vmem>> -> memref<1x1x256x16xf32, #tpu.memory_space<vmem>>
        %dma_start3A_307 = tpu.memref_squeeze %dma_start3A_306 : memref<1x1x256x16xf32, #tpu.memory_space<vmem>> -> memref<256x16xf32, #tpu.memory_space<vmem>>
        %dma_start3A_308 = arith.constant 0 : i32
        %dma_start3A_309 = tpu.memref_slice %arg14[%add3A_301, %dma_start3A_308] : memref<80x256xi32, #tpu.memory_space<vmem>> -> memref<1x256xi32, #tpu.memory_space<vmem>>
        %dma_start3A_310 = tpu.memref_squeeze %dma_start3A_309 : memref<1x256xi32, #tpu.memory_space<vmem>> -> memref<256xi32, #tpu.memory_space<vmem>>
        %dma_start3A_311 = arith.constant 0 : i32
        %dma_start3A_312 = arith.constant 0 : i32
        %dma_start3A_313 = tpu.memref_slice %arg11[%dma_start3A_311, %dma_start3A_312] : memref<10240x16xf32, #tpu.memory_space<vmem_shared>> -> memref<10240x16xf32, #tpu.memory_space<vmem_shared>>
        tpu.enqueue_indirect_dma source(%dma_start3A_307 : memref<256x16xf32, #tpu.memory_space<vmem>>) target(%dma_start3A_313 : memref<10240x16xf32, #tpu.memory_space<vmem_shared>>) offsets(%dma_start3A_310 : memref<256xi32, #tpu.memory_space<vmem>>) semaphore(%arg30 : memref<!tpu.dma_semaphore, #tpu.memory_space<semaphore_mem>>) {add = true}
        %mul3A_314 = arith.constant 2 : i32
        %mul3A_315 = arith.muli %add3A_297, %mul3A_314 : i32
        %add3A_316 = arith.constant 1 : i32
        %add3A_317 = arith.addi %mul3A_315, %add3A_316 : i32
        %dma_start3A_318 = arith.constant 1 : i32
        %dma_start3A_319 = arith.constant 1 : i32
        %dma_start3A_320 = arith.constant 0 : i32
        %dma_start3A_321 = arith.constant 0 : i32
        %dma_start3A_322 = tpu.memref_slice %arg15[%dma_start3A_318, %dma_start3A_319, %dma_start3A_320, %dma_start3A_321] : memref<4x2x256x16xf32, #tpu.memory_space<vmem>> -> memref<1x1x256x16xf32, #tpu.memory_space<vmem>>
        %dma_start3A_323 = tpu.memref_squeeze %dma_start3A_322 : memref<1x1x256x16xf32, #tpu.memory_space<vmem>> -> memref<256x16xf32, #tpu.memory_space<vmem>>
        %dma_start3A_324 = arith.constant 0 : i32
        %dma_start3A_325 = tpu.memref_slice %arg14[%add3A_317, %dma_start3A_324] : memref<80x256xi32, #tpu.memory_space<vmem>> -> memref<1x256xi32, #tpu.memory_space<vmem>>
        %dma_start3A_326 = tpu.memref_squeeze %dma_start3A_325 : memref<1x256xi32, #tpu.memory_space<vmem>> -> memref<256xi32, #tpu.memory_space<vmem>>
        %dma_start3A_327 = arith.constant 0 : i32
        %dma_start3A_328 = arith.constant 0 : i32
        %dma_start3A_329 = tpu.memref_slice %arg11[%dma_start3A_327, %dma_start3A_328] : memref<10240x16xf32, #tpu.memory_space<vmem_shared>> -> memref<10240x16xf32, #tpu.memory_space<vmem_shared>>
        tpu.enqueue_indirect_dma source(%dma_start3A_323 : memref<256x16xf32, #tpu.memory_space<vmem>>) target(%dma_start3A_329 : memref<10240x16xf32, #tpu.memory_space<vmem_shared>>) offsets(%dma_start3A_326 : memref<256xi32, #tpu.memory_space<vmem>>) semaphore(%arg30 : memref<!tpu.dma_semaphore, #tpu.memory_space<semaphore_mem>>) {add = true}
        %dma_wait3A_330 = arith.constant 2 : i32
        %dma_wait3A_331 = arith.constant 0 : i32
        %dma_wait3A_332 = arith.constant 0 : i32
        %dma_wait3A_333 = arith.constant 0 : i32
        %dma_wait3A_334 = tpu.memref_slice %arg15[%dma_wait3A_330, %dma_wait3A_331, %dma_wait3A_332, %dma_wait3A_333] : memref<4x2x256x16xf32, #tpu.memory_space<vmem>> -> memref<1x1x256x16xf32, #tpu.memory_space<vmem>>
        %dma_wait3A_335 = tpu.memref_squeeze %dma_wait3A_334 : memref<1x1x256x16xf32, #tpu.memory_space<vmem>> -> memref<256x16xf32, #tpu.memory_space<vmem>>
        %dma_wait3A_336 = arith.constant 0 : i32
        %dma_wait3A_337 = arith.constant 0 : i32
        %dma_wait3A_338 = tpu.memref_slice %arg10[%dma_wait3A_336, %dma_wait3A_337] : memref<10240x16xf32, #tpu.memory_space<hbm>> -> memref<256x16xf32, #tpu.memory_space<hbm>>
        %dma_wait3A_339 = arith.constant 0 : i32
        %dma_wait3A_340 = arith.constant 0 : i32
        %dma_wait3A_341 = tpu.memref_slice %arg15[%dma_wait3A_330, %dma_wait3A_331, %dma_wait3A_339, %dma_wait3A_340] : memref<4x2x256x16xf32, #tpu.memory_space<vmem>> -> memref<1x1x256x16xf32, #tpu.memory_space<vmem>>
        %dma_wait3A_342 = tpu.memref_squeeze %dma_wait3A_341 : memref<1x1x256x16xf32, #tpu.memory_space<vmem>> -> memref<256x16xf32, #tpu.memory_space<vmem>>
        %dma_wait3A_343 = arith.constant 0 : i32
        %dma_wait3A_344 = arith.constant 0 : i32
        %dma_wait3A_345 = tpu.memref_slice %arg10[%dma_wait3A_343, %dma_wait3A_344] : memref<10240x16xf32, #tpu.memory_space<hbm>> -> memref<256x16xf32, #tpu.memory_space<hbm>>
        tpu.wait_dma2 semaphore(%arg27 : memref<!tpu.dma_semaphore, #tpu.memory_space<semaphore_mem>>) src(%dma_wait3A_345 : memref<256x16xf32, #tpu.memory_space<hbm>>) dst(%dma_wait3A_342 : memref<256x16xf32, #tpu.memory_space<vmem>>)
        %dma_wait3A_346 = arith.constant 2 : i32
        %dma_wait3A_347 = arith.constant 1 : i32
        %dma_wait3A_348 = arith.constant 0 : i32
        %dma_wait3A_349 = arith.constant 0 : i32
        %dma_wait3A_350 = tpu.memref_slice %arg15[%dma_wait3A_346, %dma_wait3A_347, %dma_wait3A_348, %dma_wait3A_349] : memref<4x2x256x16xf32, #tpu.memory_space<vmem>> -> memref<1x1x256x16xf32, #tpu.memory_space<vmem>>
        %dma_wait3A_351 = tpu.memref_squeeze %dma_wait3A_350 : memref<1x1x256x16xf32, #tpu.memory_space<vmem>> -> memref<256x16xf32, #tpu.memory_space<vmem>>
        %dma_wait3A_352 = arith.constant 0 : i32
        %dma_wait3A_353 = arith.constant 0 : i32
        %dma_wait3A_354 = tpu.memref_slice %arg10[%dma_wait3A_352, %dma_wait3A_353] : memref<10240x16xf32, #tpu.memory_space<hbm>> -> memref<256x16xf32, #tpu.memory_space<hbm>>
        %dma_wait3A_355 = arith.constant 0 : i32
        %dma_wait3A_356 = arith.constant 0 : i32
        %dma_wait3A_357 = tpu.memref_slice %arg15[%dma_wait3A_346, %dma_wait3A_347, %dma_wait3A_355, %dma_wait3A_356] : memref<4x2x256x16xf32, #tpu.memory_space<vmem>> -> memref<1x1x256x16xf32, #tpu.memory_space<vmem>>
        %dma_wait3A_358 = tpu.memref_squeeze %dma_wait3A_357 : memref<1x1x256x16xf32, #tpu.memory_space<vmem>> -> memref<256x16xf32, #tpu.memory_space<vmem>>
        %dma_wait3A_359 = arith.constant 0 : i32
        %dma_wait3A_360 = arith.constant 0 : i32
        %dma_wait3A_361 = tpu.memref_slice %arg10[%dma_wait3A_359, %dma_wait3A_360] : memref<10240x16xf32, #tpu.memory_space<hbm>> -> memref<256x16xf32, #tpu.memory_space<hbm>>
        tpu.wait_dma2 semaphore(%arg27 : memref<!tpu.dma_semaphore, #tpu.memory_space<semaphore_mem>>) src(%dma_wait3A_361 : memref<256x16xf32, #tpu.memory_space<hbm>>) dst(%dma_wait3A_358 : memref<256x16xf32, #tpu.memory_space<vmem>>)
        %add3A_362 = arith.constant 2 : i32
        %add3A_363 = arith.addi %mul3A_197, %add3A_362 : i32
        %mul3A_364 = arith.constant 2 : i32
        %mul3A_365 = arith.muli %add3A_363, %mul3A_364 : i32
        %add3A_366 = arith.constant 0 : i32
        %add3A_367 = arith.addi %mul3A_365, %add3A_366 : i32
        %dma_start3A_368 = arith.constant 2 : i32
        %dma_start3A_369 = arith.constant 0 : i32
        %dma_start3A_370 = arith.constant 0 : i32
        %dma_start3A_371 = arith.constant 0 : i32
        %dma_start3A_372 = tpu.memref_slice %arg15[%dma_start3A_368, %dma_start3A_369, %dma_start3A_370, %dma_start3A_371] : memref<4x2x256x16xf32, #tpu.memory_space<vmem>> -> memref<1x1x256x16xf32, #tpu.memory_space<vmem>>
        %dma_start3A_373 = tpu.memref_squeeze %dma_start3A_372 : memref<1x1x256x16xf32, #tpu.memory_space<vmem>> -> memref<256x16xf32, #tpu.memory_space<vmem>>
        %dma_start3A_374 = arith.constant 0 : i32
        %dma_start3A_375 = tpu.memref_slice %arg14[%add3A_367, %dma_start3A_374] : memref<80x256xi32, #tpu.memory_space<vmem>> -> memref<1x256xi32, #tpu.memory_space<vmem>>
        %dma_start3A_376 = tpu.memref_squeeze %dma_start3A_375 : memref<1x256xi32, #tpu.memory_space<vmem>> -> memref<256xi32, #tpu.memory_space<vmem>>
        %dma_start3A_377 = arith.constant 0 : i32
        %dma_start3A_378 = arith.constant 0 : i32
        %dma_start3A_379 = tpu.memref_slice %arg11[%dma_start3A_377, %dma_start3A_378] : memref<10240x16xf32, #tpu.memory_space<vmem_shared>> -> memref<10240x16xf32, #tpu.memory_space<vmem_shared>>
        tpu.enqueue_indirect_dma source(%dma_start3A_373 : memref<256x16xf32, #tpu.memory_space<vmem>>) target(%dma_start3A_379 : memref<10240x16xf32, #tpu.memory_space<vmem_shared>>) offsets(%dma_start3A_376 : memref<256xi32, #tpu.memory_space<vmem>>) semaphore(%arg31 : memref<!tpu.dma_semaphore, #tpu.memory_space<semaphore_mem>>) {add = true}
        %mul3A_380 = arith.constant 2 : i32
        %mul3A_381 = arith.muli %add3A_363, %mul3A_380 : i32
        %add3A_382 = arith.constant 1 : i32
        %add3A_383 = arith.addi %mul3A_381, %add3A_382 : i32
        %dma_start3A_384 = arith.constant 2 : i32
        %dma_start3A_385 = arith.constant 1 : i32
        %dma_start3A_386 = arith.constant 0 : i32
        %dma_start3A_387 = arith.constant 0 : i32
        %dma_start3A_388 = tpu.memref_slice %arg15[%dma_start3A_384, %dma_start3A_385, %dma_start3A_386, %dma_start3A_387] : memref<4x2x256x16xf32, #tpu.memory_space<vmem>> -> memref<1x1x256x16xf32, #tpu.memory_space<vmem>>
        %dma_start3A_389 = tpu.memref_squeeze %dma_start3A_388 : memref<1x1x256x16xf32, #tpu.memory_space<vmem>> -> memref<256x16xf32, #tpu.memory_space<vmem>>
        %dma_start3A_390 = arith.constant 0 : i32
        %dma_start3A_391 = tpu.memref_slice %arg14[%add3A_383, %dma_start3A_390] : memref<80x256xi32, #tpu.memory_space<vmem>> -> memref<1x256xi32, #tpu.memory_space<vmem>>
        %dma_start3A_392 = tpu.memref_squeeze %dma_start3A_391 : memref<1x256xi32, #tpu.memory_space<vmem>> -> memref<256xi32, #tpu.memory_space<vmem>>
        %dma_start3A_393 = arith.constant 0 : i32
        %dma_start3A_394 = arith.constant 0 : i32
        %dma_start3A_395 = tpu.memref_slice %arg11[%dma_start3A_393, %dma_start3A_394] : memref<10240x16xf32, #tpu.memory_space<vmem_shared>> -> memref<10240x16xf32, #tpu.memory_space<vmem_shared>>
        tpu.enqueue_indirect_dma source(%dma_start3A_389 : memref<256x16xf32, #tpu.memory_space<vmem>>) target(%dma_start3A_395 : memref<10240x16xf32, #tpu.memory_space<vmem_shared>>) offsets(%dma_start3A_392 : memref<256xi32, #tpu.memory_space<vmem>>) semaphore(%arg31 : memref<!tpu.dma_semaphore, #tpu.memory_space<semaphore_mem>>) {add = true}
        %dma_wait3A_396 = arith.constant 3 : i32
        %dma_wait3A_397 = arith.constant 0 : i32
        %dma_wait3A_398 = arith.constant 0 : i32
        %dma_wait3A_399 = arith.constant 0 : i32
        %dma_wait3A_400 = tpu.memref_slice %arg15[%dma_wait3A_396, %dma_wait3A_397, %dma_wait3A_398, %dma_wait3A_399] : memref<4x2x256x16xf32, #tpu.memory_space<vmem>> -> memref<1x1x256x16xf32, #tpu.memory_space<vmem>>
        %dma_wait3A_401 = tpu.memref_squeeze %dma_wait3A_400 : memref<1x1x256x16xf32, #tpu.memory_space<vmem>> -> memref<256x16xf32, #tpu.memory_space<vmem>>
        %dma_wait3A_402 = arith.constant 0 : i32
        %dma_wait3A_403 = arith.constant 0 : i32
        %dma_wait3A_404 = tpu.memref_slice %arg10[%dma_wait3A_402, %dma_wait3A_403] : memref<10240x16xf32, #tpu.memory_space<hbm>> -> memref<256x16xf32, #tpu.memory_space<hbm>>
        %dma_wait3A_405 = arith.constant 0 : i32
        %dma_wait3A_406 = arith.constant 0 : i32
        %dma_wait3A_407 = tpu.memref_slice %arg15[%dma_wait3A_396, %dma_wait3A_397, %dma_wait3A_405, %dma_wait3A_406] : memref<4x2x256x16xf32, #tpu.memory_space<vmem>> -> memref<1x1x256x16xf32, #tpu.memory_space<vmem>>
        %dma_wait3A_408 = tpu.memref_squeeze %dma_wait3A_407 : memref<1x1x256x16xf32, #tpu.memory_space<vmem>> -> memref<256x16xf32, #tpu.memory_space<vmem>>
        %dma_wait3A_409 = arith.constant 0 : i32
        %dma_wait3A_410 = arith.constant 0 : i32
        %dma_wait3A_411 = tpu.memref_slice %arg10[%dma_wait3A_409, %dma_wait3A_410] : memref<10240x16xf32, #tpu.memory_space<hbm>> -> memref<256x16xf32, #tpu.memory_space<hbm>>
        tpu.wait_dma2 semaphore(%arg28 : memref<!tpu.dma_semaphore, #tpu.memory_space<semaphore_mem>>) src(%dma_wait3A_411 : memref<256x16xf32, #tpu.memory_space<hbm>>) dst(%dma_wait3A_408 : memref<256x16xf32, #tpu.memory_space<vmem>>)
        %dma_wait3A_412 = arith.constant 3 : i32
        %dma_wait3A_413 = arith.constant 1 : i32
        %dma_wait3A_414 = arith.constant 0 : i32
        %dma_wait3A_415 = arith.constant 0 : i32
        %dma_wait3A_416 = tpu.memref_slice %arg15[%dma_wait3A_412, %dma_wait3A_413, %dma_wait3A_414, %dma_wait3A_415] : memref<4x2x256x16xf32, #tpu.memory_space<vmem>> -> memref<1x1x256x16xf32, #tpu.memory_space<vmem>>
        %dma_wait3A_417 = tpu.memref_squeeze %dma_wait3A_416 : memref<1x1x256x16xf32, #tpu.memory_space<vmem>> -> memref<256x16xf32, #tpu.memory_space<vmem>>
        %dma_wait3A_418 = arith.constant 0 : i32
        %dma_wait3A_419 = arith.constant 0 : i32
        %dma_wait3A_420 = tpu.memref_slice %arg10[%dma_wait3A_418, %dma_wait3A_419] : memref<10240x16xf32, #tpu.memory_space<hbm>> -> memref<256x16xf32, #tpu.memory_space<hbm>>
        %dma_wait3A_421 = arith.constant 0 : i32
        %dma_wait3A_422 = arith.constant 0 : i32
        %dma_wait3A_423 = tpu.memref_slice %arg15[%dma_wait3A_412, %dma_wait3A_413, %dma_wait3A_421, %dma_wait3A_422] : memref<4x2x256x16xf32, #tpu.memory_space<vmem>> -> memref<1x1x256x16xf32, #tpu.memory_space<vmem>>
        %dma_wait3A_424 = tpu.memref_squeeze %dma_wait3A_423 : memref<1x1x256x16xf32, #tpu.memory_space<vmem>> -> memref<256x16xf32, #tpu.memory_space<vmem>>
        %dma_wait3A_425 = arith.constant 0 : i32
        %dma_wait3A_426 = arith.constant 0 : i32
        %dma_wait3A_427 = tpu.memref_slice %arg10[%dma_wait3A_425, %dma_wait3A_426] : memref<10240x16xf32, #tpu.memory_space<hbm>> -> memref<256x16xf32, #tpu.memory_space<hbm>>
        tpu.wait_dma2 semaphore(%arg28 : memref<!tpu.dma_semaphore, #tpu.memory_space<semaphore_mem>>) src(%dma_wait3A_427 : memref<256x16xf32, #tpu.memory_space<hbm>>) dst(%dma_wait3A_424 : memref<256x16xf32, #tpu.memory_space<vmem>>)
        %add3A_428 = arith.constant 3 : i32
        %add3A_429 = arith.addi %mul3A_197, %add3A_428 : i32
        %mul3A_430 = arith.constant 2 : i32
        %mul3A_431 = arith.muli %add3A_429, %mul3A_430 : i32
        %add3A_432 = arith.constant 0 : i32
        %add3A_433 = arith.addi %mul3A_431, %add3A_432 : i32
        %dma_start3A_434 = arith.constant 3 : i32
        %dma_start3A_435 = arith.constant 0 : i32
        %dma_start3A_436 = arith.constant 0 : i32
        %dma_start3A_437 = arith.constant 0 : i32
        %dma_start3A_438 = tpu.memref_slice %arg15[%dma_start3A_434, %dma_start3A_435, %dma_start3A_436, %dma_start3A_437] : memref<4x2x256x16xf32, #tpu.memory_space<vmem>> -> memref<1x1x256x16xf32, #tpu.memory_space<vmem>>
        %dma_start3A_439 = tpu.memref_squeeze %dma_start3A_438 : memref<1x1x256x16xf32, #tpu.memory_space<vmem>> -> memref<256x16xf32, #tpu.memory_space<vmem>>
        %dma_start3A_440 = arith.constant 0 : i32
        %dma_start3A_441 = tpu.memref_slice %arg14[%add3A_433, %dma_start3A_440] : memref<80x256xi32, #tpu.memory_space<vmem>> -> memref<1x256xi32, #tpu.memory_space<vmem>>
        %dma_start3A_442 = tpu.memref_squeeze %dma_start3A_441 : memref<1x256xi32, #tpu.memory_space<vmem>> -> memref<256xi32, #tpu.memory_space<vmem>>
        %dma_start3A_443 = arith.constant 0 : i32
        %dma_start3A_444 = arith.constant 0 : i32
        %dma_start3A_445 = tpu.memref_slice %arg11[%dma_start3A_443, %dma_start3A_444] : memref<10240x16xf32, #tpu.memory_space<vmem_shared>> -> memref<10240x16xf32, #tpu.memory_space<vmem_shared>>
        tpu.enqueue_indirect_dma source(%dma_start3A_439 : memref<256x16xf32, #tpu.memory_space<vmem>>) target(%dma_start3A_445 : memref<10240x16xf32, #tpu.memory_space<vmem_shared>>) offsets(%dma_start3A_442 : memref<256xi32, #tpu.memory_space<vmem>>) semaphore(%arg32 : memref<!tpu.dma_semaphore, #tpu.memory_space<semaphore_mem>>) {add = true}
        %mul3A_446 = arith.constant 2 : i32
        %mul3A_447 = arith.muli %add3A_429, %mul3A_446 : i32
        %add3A_448 = arith.constant 1 : i32
        %add3A_449 = arith.addi %mul3A_447, %add3A_448 : i32
        %dma_start3A_450 = arith.constant 3 : i32
        %dma_start3A_451 = arith.constant 1 : i32
        %dma_start3A_452 = arith.constant 0 : i32
        %dma_start3A_453 = arith.constant 0 : i32
        %dma_start3A_454 = tpu.memref_slice %arg15[%dma_start3A_450, %dma_start3A_451, %dma_start3A_452, %dma_start3A_453] : memref<4x2x256x16xf32, #tpu.memory_space<vmem>> -> memref<1x1x256x16xf32, #tpu.memory_space<vmem>>
        %dma_start3A_455 = tpu.memref_squeeze %dma_start3A_454 : memref<1x1x256x16xf32, #tpu.memory_space<vmem>> -> memref<256x16xf32, #tpu.memory_space<vmem>>
        %dma_start3A_456 = arith.constant 0 : i32
        %dma_start3A_457 = tpu.memref_slice %arg14[%add3A_449, %dma_start3A_456] : memref<80x256xi32, #tpu.memory_space<vmem>> -> memref<1x256xi32, #tpu.memory_space<vmem>>
        %dma_start3A_458 = tpu.memref_squeeze %dma_start3A_457 : memref<1x256xi32, #tpu.memory_space<vmem>> -> memref<256xi32, #tpu.memory_space<vmem>>
        %dma_start3A_459 = arith.constant 0 : i32
        %dma_start3A_460 = arith.constant 0 : i32
        %dma_start3A_461 = tpu.memref_slice %arg11[%dma_start3A_459, %dma_start3A_460] : memref<10240x16xf32, #tpu.memory_space<vmem_shared>> -> memref<10240x16xf32, #tpu.memory_space<vmem_shared>>
        tpu.enqueue_indirect_dma source(%dma_start3A_455 : memref<256x16xf32, #tpu.memory_space<vmem>>) target(%dma_start3A_461 : memref<10240x16xf32, #tpu.memory_space<vmem_shared>>) offsets(%dma_start3A_458 : memref<256xi32, #tpu.memory_space<vmem>>) semaphore(%arg32 : memref<!tpu.dma_semaphore, #tpu.memory_space<semaphore_mem>>) {add = true}
        %dma_wait3A_462 = arith.constant 0 : i32
        %dma_wait3A_463 = arith.constant 0 : i32
        %dma_wait3A_464 = arith.constant 0 : i32
        %dma_wait3A_465 = arith.constant 0 : i32
        %dma_wait3A_466 = tpu.memref_slice %arg15[%dma_wait3A_462, %dma_wait3A_463, %dma_wait3A_464, %dma_wait3A_465] : memref<4x2x256x16xf32, #tpu.memory_space<vmem>> -> memref<1x1x256x16xf32, #tpu.memory_space<vmem>>
        %dma_wait3A_467 = tpu.memref_squeeze %dma_wait3A_466 : memref<1x1x256x16xf32, #tpu.memory_space<vmem>> -> memref<256x16xf32, #tpu.memory_space<vmem>>
        %dma_wait3A_468 = arith.constant 0 : i32
        %dma_wait3A_469 = arith.constant 0 : i32
        %dma_wait3A_470 = tpu.memref_slice %arg11[%dma_wait3A_468, %dma_wait3A_469] : memref<10240x16xf32, #tpu.memory_space<vmem_shared>> -> memref<256x16xf32, #tpu.memory_space<vmem_shared>>
        %dma_wait3A_471 = arith.constant 0 : i32
        %dma_wait3A_472 = arith.constant 0 : i32
        %dma_wait3A_473 = tpu.memref_slice %arg11[%dma_wait3A_471, %dma_wait3A_472] : memref<10240x16xf32, #tpu.memory_space<vmem_shared>> -> memref<256x16xf32, #tpu.memory_space<vmem_shared>>
        %dma_wait3A_474 = arith.constant 0 : i32
        %dma_wait3A_475 = arith.constant 0 : i32
        %dma_wait3A_476 = tpu.memref_slice %arg15[%dma_wait3A_462, %dma_wait3A_463, %dma_wait3A_474, %dma_wait3A_475] : memref<4x2x256x16xf32, #tpu.memory_space<vmem>> -> memref<1x1x256x16xf32, #tpu.memory_space<vmem>>
        %dma_wait3A_477 = tpu.memref_squeeze %dma_wait3A_476 : memref<1x1x256x16xf32, #tpu.memory_space<vmem>> -> memref<256x16xf32, #tpu.memory_space<vmem>>
        tpu.wait_dma2 semaphore(%arg29 : memref<!tpu.dma_semaphore, #tpu.memory_space<semaphore_mem>>) src(%dma_wait3A_477 : memref<256x16xf32, #tpu.memory_space<vmem>>) dst(%dma_wait3A_473 : memref<256x16xf32, #tpu.memory_space<vmem_shared>>)
        %dma_wait3A_478 = arith.constant 0 : i32
        %dma_wait3A_479 = arith.constant 1 : i32
        %dma_wait3A_480 = arith.constant 0 : i32
        %dma_wait3A_481 = arith.constant 0 : i32
        %dma_wait3A_482 = tpu.memref_slice %arg15[%dma_wait3A_478, %dma_wait3A_479, %dma_wait3A_480, %dma_wait3A_481] : memref<4x2x256x16xf32, #tpu.memory_space<vmem>> -> memref<1x1x256x16xf32, #tpu.memory_space<vmem>>
        %dma_wait3A_483 = tpu.memref_squeeze %dma_wait3A_482 : memref<1x1x256x16xf32, #tpu.memory_space<vmem>> -> memref<256x16xf32, #tpu.memory_space<vmem>>
        %dma_wait3A_484 = arith.constant 0 : i32
        %dma_wait3A_485 = arith.constant 0 : i32
        %dma_wait3A_486 = tpu.memref_slice %arg11[%dma_wait3A_484, %dma_wait3A_485] : memref<10240x16xf32, #tpu.memory_space<vmem_shared>> -> memref<256x16xf32, #tpu.memory_space<vmem_shared>>
        %dma_wait3A_487 = arith.constant 0 : i32
        %dma_wait3A_488 = arith.constant 0 : i32
        %dma_wait3A_489 = tpu.memref_slice %arg11[%dma_wait3A_487, %dma_wait3A_488] : memref<10240x16xf32, #tpu.memory_space<vmem_shared>> -> memref<256x16xf32, #tpu.memory_space<vmem_shared>>
        %dma_wait3A_490 = arith.constant 0 : i32
        %dma_wait3A_491 = arith.constant 0 : i32
        %dma_wait3A_492 = tpu.memref_slice %arg15[%dma_wait3A_478, %dma_wait3A_479, %dma_wait3A_490, %dma_wait3A_491] : memref<4x2x256x16xf32, #tpu.memory_space<vmem>> -> memref<1x1x256x16xf32, #tpu.memory_space<vmem>>
        %dma_wait3A_493 = tpu.memref_squeeze %dma_wait3A_492 : memref<1x1x256x16xf32, #tpu.memory_space<vmem>> -> memref<256x16xf32, #tpu.memory_space<vmem>>
        tpu.wait_dma2 semaphore(%arg29 : memref<!tpu.dma_semaphore, #tpu.memory_space<semaphore_mem>>) src(%dma_wait3A_493 : memref<256x16xf32, #tpu.memory_space<vmem>>) dst(%dma_wait3A_489 : memref<256x16xf32, #tpu.memory_space<vmem_shared>>)
        %lt3A = arith.constant 9 : i32
        %lt3A_494 = arith.cmpi slt, %scan3A_195, %lt3A : i32
        %convert_element_type3A = arith.extui %lt3A_494 : i1 to i32
        %cond3A = arith.constant 0 : i32
        %cond3A_495 = arith.cmpi ne, %convert_element_type3A, %cond3A : i32
        scf.if %cond3A_495 {
          %add3A_607 = arith.constant 4 : i32
          %add3A_608 = arith.addi %mul3A_197, %add3A_607 : i32
          %add3A_609 = arith.constant 0 : i32
          %add3A_610 = arith.addi %add3A_608, %add3A_609 : i32
          %mul3A_611 = arith.constant 2 : i32
          %mul3A_612 = arith.muli %add3A_610, %mul3A_611 : i32
          %add3A_613 = arith.constant 0 : i32
          %add3A_614 = arith.addi %mul3A_612, %add3A_613 : i32
          %dma_start3A_615 = arith.constant 0 : i32
          %dma_start3A_616 = arith.constant 0 : i32
          %dma_start3A_617 = arith.constant 0 : i32
          %dma_start3A_618 = arith.constant 0 : i32
          %dma_start3A_619 = tpu.memref_slice %arg15[%dma_start3A_615, %dma_start3A_616, %dma_start3A_617, %dma_start3A_618] : memref<4x2x256x16xf32, #tpu.memory_space<vmem>> -> memref<1x1x256x16xf32, #tpu.memory_space<vmem>>
          %dma_start3A_620 = tpu.memref_squeeze %dma_start3A_619 : memref<1x1x256x16xf32, #tpu.memory_space<vmem>> -> memref<256x16xf32, #tpu.memory_space<vmem>>
          %dma_start3A_621 = arith.constant 0 : i32
          %dma_start3A_622 = tpu.memref_slice %arg13[%add3A_614, %dma_start3A_621] : memref<80x256xi32, #tpu.memory_space<vmem>> -> memref<1x256xi32, #tpu.memory_space<vmem>>
          %dma_start3A_623 = tpu.memref_squeeze %dma_start3A_622 : memref<1x256xi32, #tpu.memory_space<vmem>> -> memref<256xi32, #tpu.memory_space<vmem>>
          %dma_start3A_624 = arith.constant 0 : i32
          %dma_start3A_625 = arith.constant 0 : i32
          %dma_start3A_626 = tpu.memref_slice %arg10[%dma_start3A_624, %dma_start3A_625] : memref<10240x16xf32, #tpu.memory_space<hbm>> -> memref<10240x16xf32, #tpu.memory_space<hbm>>
          tpu.enqueue_indirect_dma source(%dma_start3A_626 : memref<10240x16xf32, #tpu.memory_space<hbm>>) target(%dma_start3A_620 : memref<256x16xf32, #tpu.memory_space<vmem>>) offsets(%dma_start3A_623 : memref<256xi32, #tpu.memory_space<vmem>>) semaphore(%arg25 : memref<!tpu.dma_semaphore, #tpu.memory_space<semaphore_mem>>)
          %mul3A_627 = arith.constant 2 : i32
          %mul3A_628 = arith.muli %add3A_610, %mul3A_627 : i32
          %add3A_629 = arith.constant 1 : i32
          %add3A_630 = arith.addi %mul3A_628, %add3A_629 : i32
          %dma_start3A_631 = arith.constant 0 : i32
          %dma_start3A_632 = arith.constant 1 : i32
          %dma_start3A_633 = arith.constant 0 : i32
          %dma_start3A_634 = arith.constant 0 : i32
          %dma_start3A_635 = tpu.memref_slice %arg15[%dma_start3A_631, %dma_start3A_632, %dma_start3A_633, %dma_start3A_634] : memref<4x2x256x16xf32, #tpu.memory_space<vmem>> -> memref<1x1x256x16xf32, #tpu.memory_space<vmem>>
          %dma_start3A_636 = tpu.memref_squeeze %dma_start3A_635 : memref<1x1x256x16xf32, #tpu.memory_space<vmem>> -> memref<256x16xf32, #tpu.memory_space<vmem>>
          %dma_start3A_637 = arith.constant 0 : i32
          %dma_start3A_638 = tpu.memref_slice %arg13[%add3A_630, %dma_start3A_637] : memref<80x256xi32, #tpu.memory_space<vmem>> -> memref<1x256xi32, #tpu.memory_space<vmem>>
          %dma_start3A_639 = tpu.memref_squeeze %dma_start3A_638 : memref<1x256xi32, #tpu.memory_space<vmem>> -> memref<256xi32, #tpu.memory_space<vmem>>
          %dma_start3A_640 = arith.constant 0 : i32
          %dma_start3A_641 = arith.constant 0 : i32
          %dma_start3A_642 = tpu.memref_slice %arg10[%dma_start3A_640, %dma_start3A_641] : memref<10240x16xf32, #tpu.memory_space<hbm>> -> memref<10240x16xf32, #tpu.memory_space<hbm>>
          tpu.enqueue_indirect_dma source(%dma_start3A_642 : memref<10240x16xf32, #tpu.memory_space<hbm>>) target(%dma_start3A_636 : memref<256x16xf32, #tpu.memory_space<vmem>>) offsets(%dma_start3A_639 : memref<256xi32, #tpu.memory_space<vmem>>) semaphore(%arg25 : memref<!tpu.dma_semaphore, #tpu.memory_space<semaphore_mem>>)
        } else {
        }
        %dma_wait3A_496 = arith.constant 1 : i32
        %dma_wait3A_497 = arith.constant 0 : i32
        %dma_wait3A_498 = arith.constant 0 : i32
        %dma_wait3A_499 = arith.constant 0 : i32
        %dma_wait3A_500 = tpu.memref_slice %arg15[%dma_wait3A_496, %dma_wait3A_497, %dma_wait3A_498, %dma_wait3A_499] : memref<4x2x256x16xf32, #tpu.memory_space<vmem>> -> memref<1x1x256x16xf32, #tpu.memory_space<vmem>>
        %dma_wait3A_501 = tpu.memref_squeeze %dma_wait3A_500 : memref<1x1x256x16xf32, #tpu.memory_space<vmem>> -> memref<256x16xf32, #tpu.memory_space<vmem>>
        %dma_wait3A_502 = arith.constant 0 : i32
        %dma_wait3A_503 = arith.constant 0 : i32
        %dma_wait3A_504 = tpu.memref_slice %arg11[%dma_wait3A_502, %dma_wait3A_503] : memref<10240x16xf32, #tpu.memory_space<vmem_shared>> -> memref<256x16xf32, #tpu.memory_space<vmem_shared>>
        %dma_wait3A_505 = arith.constant 0 : i32
        %dma_wait3A_506 = arith.constant 0 : i32
        %dma_wait3A_507 = tpu.memref_slice %arg11[%dma_wait3A_505, %dma_wait3A_506] : memref<10240x16xf32, #tpu.memory_space<vmem_shared>> -> memref<256x16xf32, #tpu.memory_space<vmem_shared>>
        %dma_wait3A_508 = arith.constant 0 : i32
        %dma_wait3A_509 = arith.constant 0 : i32
        %dma_wait3A_510 = tpu.memref_slice %arg15[%dma_wait3A_496, %dma_wait3A_497, %dma_wait3A_508, %dma_wait3A_509] : memref<4x2x256x16xf32, #tpu.memory_space<vmem>> -> memref<1x1x256x16xf32, #tpu.memory_space<vmem>>
        %dma_wait3A_511 = tpu.memref_squeeze %dma_wait3A_510 : memref<1x1x256x16xf32, #tpu.memory_space<vmem>> -> memref<256x16xf32, #tpu.memory_space<vmem>>
        tpu.wait_dma2 semaphore(%arg30 : memref<!tpu.dma_semaphore, #tpu.memory_space<semaphore_mem>>) src(%dma_wait3A_511 : memref<256x16xf32, #tpu.memory_space<vmem>>) dst(%dma_wait3A_507 : memref<256x16xf32, #tpu.memory_space<vmem_shared>>)
        %dma_wait3A_512 = arith.constant 1 : i32
        %dma_wait3A_513 = arith.constant 1 : i32
        %dma_wait3A_514 = arith.constant 0 : i32
        %dma_wait3A_515 = arith.constant 0 : i32
        %dma_wait3A_516 = tpu.memref_slice %arg15[%dma_wait3A_512, %dma_wait3A_513, %dma_wait3A_514, %dma_wait3A_515] : memref<4x2x256x16xf32, #tpu.memory_space<vmem>> -> memref<1x1x256x16xf32, #tpu.memory_space<vmem>>
        %dma_wait3A_517 = tpu.memref_squeeze %dma_wait3A_516 : memref<1x1x256x16xf32, #tpu.memory_space<vmem>> -> memref<256x16xf32, #tpu.memory_space<vmem>>
        %dma_wait3A_518 = arith.constant 0 : i32
        %dma_wait3A_519 = arith.constant 0 : i32
        %dma_wait3A_520 = tpu.memref_slice %arg11[%dma_wait3A_518, %dma_wait3A_519] : memref<10240x16xf32, #tpu.memory_space<vmem_shared>> -> memref<256x16xf32, #tpu.memory_space<vmem_shared>>
        %dma_wait3A_521 = arith.constant 0 : i32
        %dma_wait3A_522 = arith.constant 0 : i32
        %dma_wait3A_523 = tpu.memref_slice %arg11[%dma_wait3A_521, %dma_wait3A_522] : memref<10240x16xf32, #tpu.memory_space<vmem_shared>> -> memref<256x16xf32, #tpu.memory_space<vmem_shared>>
        %dma_wait3A_524 = arith.constant 0 : i32
        %dma_wait3A_525 = arith.constant 0 : i32
        %dma_wait3A_526 = tpu.memref_slice %arg15[%dma_wait3A_512, %dma_wait3A_513, %dma_wait3A_524, %dma_wait3A_525] : memref<4x2x256x16xf32, #tpu.memory_space<vmem>> -> memref<1x1x256x16xf32, #tpu.memory_space<vmem>>
        %dma_wait3A_527 = tpu.memref_squeeze %dma_wait3A_526 : memref<1x1x256x16xf32, #tpu.memory_space<vmem>> -> memref<256x16xf32, #tpu.memory_space<vmem>>
        tpu.wait_dma2 semaphore(%arg30 : memref<!tpu.dma_semaphore, #tpu.memory_space<semaphore_mem>>) src(%dma_wait3A_527 : memref<256x16xf32, #tpu.memory_space<vmem>>) dst(%dma_wait3A_523 : memref<256x16xf32, #tpu.memory_space<vmem_shared>>)
        %lt3A_528 = arith.constant 9 : i32
        %lt3A_529 = arith.cmpi slt, %scan3A_195, %lt3A_528 : i32
        %convert_element_type3A_530 = arith.extui %lt3A_529 : i1 to i32
        %cond3A_531 = arith.constant 0 : i32
        %cond3A_532 = arith.cmpi ne, %convert_element_type3A_530, %cond3A_531 : i32
        scf.if %cond3A_532 {
          %add3A_607 = arith.constant 4 : i32
          %add3A_608 = arith.addi %mul3A_197, %add3A_607 : i32
          %add3A_609 = arith.constant 1 : i32
          %add3A_610 = arith.addi %add3A_608, %add3A_609 : i32
          %mul3A_611 = arith.constant 2 : i32
          %mul3A_612 = arith.muli %add3A_610, %mul3A_611 : i32
          %add3A_613 = arith.constant 0 : i32
          %add3A_614 = arith.addi %mul3A_612, %add3A_613 : i32
          %dma_start3A_615 = arith.constant 1 : i32
          %dma_start3A_616 = arith.constant 0 : i32
          %dma_start3A_617 = arith.constant 0 : i32
          %dma_start3A_618 = arith.constant 0 : i32
          %dma_start3A_619 = tpu.memref_slice %arg15[%dma_start3A_615, %dma_start3A_616, %dma_start3A_617, %dma_start3A_618] : memref<4x2x256x16xf32, #tpu.memory_space<vmem>> -> memref<1x1x256x16xf32, #tpu.memory_space<vmem>>
          %dma_start3A_620 = tpu.memref_squeeze %dma_start3A_619 : memref<1x1x256x16xf32, #tpu.memory_space<vmem>> -> memref<256x16xf32, #tpu.memory_space<vmem>>
          %dma_start3A_621 = arith.constant 0 : i32
          %dma_start3A_622 = tpu.memref_slice %arg13[%add3A_614, %dma_start3A_621] : memref<80x256xi32, #tpu.memory_space<vmem>> -> memref<1x256xi32, #tpu.memory_space<vmem>>
          %dma_start3A_623 = tpu.memref_squeeze %dma_start3A_622 : memref<1x256xi32, #tpu.memory_space<vmem>> -> memref<256xi32, #tpu.memory_space<vmem>>
          %dma_start3A_624 = arith.constant 0 : i32
          %dma_start3A_625 = arith.constant 0 : i32
          %dma_start3A_626 = tpu.memref_slice %arg10[%dma_start3A_624, %dma_start3A_625] : memref<10240x16xf32, #tpu.memory_space<hbm>> -> memref<10240x16xf32, #tpu.memory_space<hbm>>
          tpu.enqueue_indirect_dma source(%dma_start3A_626 : memref<10240x16xf32, #tpu.memory_space<hbm>>) target(%dma_start3A_620 : memref<256x16xf32, #tpu.memory_space<vmem>>) offsets(%dma_start3A_623 : memref<256xi32, #tpu.memory_space<vmem>>) semaphore(%arg26 : memref<!tpu.dma_semaphore, #tpu.memory_space<semaphore_mem>>)
          %mul3A_627 = arith.constant 2 : i32
          %mul3A_628 = arith.muli %add3A_610, %mul3A_627 : i32
          %add3A_629 = arith.constant 1 : i32
          %add3A_630 = arith.addi %mul3A_628, %add3A_629 : i32
          %dma_start3A_631 = arith.constant 1 : i32
          %dma_start3A_632 = arith.constant 1 : i32
          %dma_start3A_633 = arith.constant 0 : i32
          %dma_start3A_634 = arith.constant 0 : i32
          %dma_start3A_635 = tpu.memref_slice %arg15[%dma_start3A_631, %dma_start3A_632, %dma_start3A_633, %dma_start3A_634] : memref<4x2x256x16xf32, #tpu.memory_space<vmem>> -> memref<1x1x256x16xf32, #tpu.memory_space<vmem>>
          %dma_start3A_636 = tpu.memref_squeeze %dma_start3A_635 : memref<1x1x256x16xf32, #tpu.memory_space<vmem>> -> memref<256x16xf32, #tpu.memory_space<vmem>>
          %dma_start3A_637 = arith.constant 0 : i32
          %dma_start3A_638 = tpu.memref_slice %arg13[%add3A_630, %dma_start3A_637] : memref<80x256xi32, #tpu.memory_space<vmem>> -> memref<1x256xi32, #tpu.memory_space<vmem>>
          %dma_start3A_639 = tpu.memref_squeeze %dma_start3A_638 : memref<1x256xi32, #tpu.memory_space<vmem>> -> memref<256xi32, #tpu.memory_space<vmem>>
          %dma_start3A_640 = arith.constant 0 : i32
          %dma_start3A_641 = arith.constant 0 : i32
          %dma_start3A_642 = tpu.memref_slice %arg10[%dma_start3A_640, %dma_start3A_641] : memref<10240x16xf32, #tpu.memory_space<hbm>> -> memref<10240x16xf32, #tpu.memory_space<hbm>>
          tpu.enqueue_indirect_dma source(%dma_start3A_642 : memref<10240x16xf32, #tpu.memory_space<hbm>>) target(%dma_start3A_636 : memref<256x16xf32, #tpu.memory_space<vmem>>) offsets(%dma_start3A_639 : memref<256xi32, #tpu.memory_space<vmem>>) semaphore(%arg26 : memref<!tpu.dma_semaphore, #tpu.memory_space<semaphore_mem>>)
        } else {
        }
        %dma_wait3A_533 = arith.constant 2 : i32
        %dma_wait3A_534 = arith.constant 0 : i32
        %dma_wait3A_535 = arith.constant 0 : i32
        %dma_wait3A_536 = arith.constant 0 : i32
        %dma_wait3A_537 = tpu.memref_slice %arg15[%dma_wait3A_533, %dma_wait3A_534, %dma_wait3A_535, %dma_wait3A_536] : memref<4x2x256x16xf32, #tpu.memory_space<vmem>> -> memref<1x1x256x16xf32, #tpu.memory_space<vmem>>
        %dma_wait3A_538 = tpu.memref_squeeze %dma_wait3A_537 : memref<1x1x256x16xf32, #tpu.memory_space<vmem>> -> memref<256x16xf32, #tpu.memory_space<vmem>>
        %dma_wait3A_539 = arith.constant 0 : i32
        %dma_wait3A_540 = arith.constant 0 : i32
        %dma_wait3A_541 = tpu.memref_slice %arg11[%dma_wait3A_539, %dma_wait3A_540] : memref<10240x16xf32, #tpu.memory_space<vmem_shared>> -> memref<256x16xf32, #tpu.memory_space<vmem_shared>>
        %dma_wait3A_542 = arith.constant 0 : i32
        %dma_wait3A_543 = arith.constant 0 : i32
        %dma_wait3A_544 = tpu.memref_slice %arg11[%dma_wait3A_542, %dma_wait3A_543] : memref<10240x16xf32, #tpu.memory_space<vmem_shared>> -> memref<256x16xf32, #tpu.memory_space<vmem_shared>>
        %dma_wait3A_545 = arith.constant 0 : i32
        %dma_wait3A_546 = arith.constant 0 : i32
        %dma_wait3A_547 = tpu.memref_slice %arg15[%dma_wait3A_533, %dma_wait3A_534, %dma_wait3A_545, %dma_wait3A_546] : memref<4x2x256x16xf32, #tpu.memory_space<vmem>> -> memref<1x1x256x16xf32, #tpu.memory_space<vmem>>
        %dma_wait3A_548 = tpu.memref_squeeze %dma_wait3A_547 : memref<1x1x256x16xf32, #tpu.memory_space<vmem>> -> memref<256x16xf32, #tpu.memory_space<vmem>>
        tpu.wait_dma2 semaphore(%arg31 : memref<!tpu.dma_semaphore, #tpu.memory_space<semaphore_mem>>) src(%dma_wait3A_548 : memref<256x16xf32, #tpu.memory_space<vmem>>) dst(%dma_wait3A_544 : memref<256x16xf32, #tpu.memory_space<vmem_shared>>)
        %dma_wait3A_549 = arith.constant 2 : i32
        %dma_wait3A_550 = arith.constant 1 : i32
        %dma_wait3A_551 = arith.constant 0 : i32
        %dma_wait3A_552 = arith.constant 0 : i32
        %dma_wait3A_553 = tpu.memref_slice %arg15[%dma_wait3A_549, %dma_wait3A_550, %dma_wait3A_551, %dma_wait3A_552] : memref<4x2x256x16xf32, #tpu.memory_space<vmem>> -> memref<1x1x256x16xf32, #tpu.memory_space<vmem>>
        %dma_wait3A_554 = tpu.memref_squeeze %dma_wait3A_553 : memref<1x1x256x16xf32, #tpu.memory_space<vmem>> -> memref<256x16xf32, #tpu.memory_space<vmem>>
        %dma_wait3A_555 = arith.constant 0 : i32
        %dma_wait3A_556 = arith.constant 0 : i32
        %dma_wait3A_557 = tpu.memref_slice %arg11[%dma_wait3A_555, %dma_wait3A_556] : memref<10240x16xf32, #tpu.memory_space<vmem_shared>> -> memref<256x16xf32, #tpu.memory_space<vmem_shared>>
        %dma_wait3A_558 = arith.constant 0 : i32
        %dma_wait3A_559 = arith.constant 0 : i32
        %dma_wait3A_560 = tpu.memref_slice %arg11[%dma_wait3A_558, %dma_wait3A_559] : memref<10240x16xf32, #tpu.memory_space<vmem_shared>> -> memref<256x16xf32, #tpu.memory_space<vmem_shared>>
        %dma_wait3A_561 = arith.constant 0 : i32
        %dma_wait3A_562 = arith.constant 0 : i32
        %dma_wait3A_563 = tpu.memref_slice %arg15[%dma_wait3A_549, %dma_wait3A_550, %dma_wait3A_561, %dma_wait3A_562] : memref<4x2x256x16xf32, #tpu.memory_space<vmem>> -> memref<1x1x256x16xf32, #tpu.memory_space<vmem>>
        %dma_wait3A_564 = tpu.memref_squeeze %dma_wait3A_563 : memref<1x1x256x16xf32, #tpu.memory_space<vmem>> -> memref<256x16xf32, #tpu.memory_space<vmem>>
        tpu.wait_dma2 semaphore(%arg31 : memref<!tpu.dma_semaphore, #tpu.memory_space<semaphore_mem>>) src(%dma_wait3A_564 : memref<256x16xf32, #tpu.memory_space<vmem>>) dst(%dma_wait3A_560 : memref<256x16xf32, #tpu.memory_space<vmem_shared>>)
        %lt3A_565 = arith.constant 9 : i32
        %lt3A_566 = arith.cmpi slt, %scan3A_195, %lt3A_565 : i32
        %convert_element_type3A_567 = arith.extui %lt3A_566 : i1 to i32
        %cond3A_568 = arith.constant 0 : i32
        %cond3A_569 = arith.cmpi ne, %convert_element_type3A_567, %cond3A_568 : i32
        scf.if %cond3A_569 {
          %add3A_607 = arith.constant 4 : i32
          %add3A_608 = arith.addi %mul3A_197, %add3A_607 : i32
          %add3A_609 = arith.constant 2 : i32
          %add3A_610 = arith.addi %add3A_608, %add3A_609 : i32
          %mul3A_611 = arith.constant 2 : i32
          %mul3A_612 = arith.muli %add3A_610, %mul3A_611 : i32
          %add3A_613 = arith.constant 0 : i32
          %add3A_614 = arith.addi %mul3A_612, %add3A_613 : i32
          %dma_start3A_615 = arith.constant 2 : i32
          %dma_start3A_616 = arith.constant 0 : i32
          %dma_start3A_617 = arith.constant 0 : i32
          %dma_start3A_618 = arith.constant 0 : i32
          %dma_start3A_619 = tpu.memref_slice %arg15[%dma_start3A_615, %dma_start3A_616, %dma_start3A_617, %dma_start3A_618] : memref<4x2x256x16xf32, #tpu.memory_space<vmem>> -> memref<1x1x256x16xf32, #tpu.memory_space<vmem>>
          %dma_start3A_620 = tpu.memref_squeeze %dma_start3A_619 : memref<1x1x256x16xf32, #tpu.memory_space<vmem>> -> memref<256x16xf32, #tpu.memory_space<vmem>>
          %dma_start3A_621 = arith.constant 0 : i32
          %dma_start3A_622 = tpu.memref_slice %arg13[%add3A_614, %dma_start3A_621] : memref<80x256xi32, #tpu.memory_space<vmem>> -> memref<1x256xi32, #tpu.memory_space<vmem>>
          %dma_start3A_623 = tpu.memref_squeeze %dma_start3A_622 : memref<1x256xi32, #tpu.memory_space<vmem>> -> memref<256xi32, #tpu.memory_space<vmem>>
          %dma_start3A_624 = arith.constant 0 : i32
          %dma_start3A_625 = arith.constant 0 : i32
          %dma_start3A_626 = tpu.memref_slice %arg10[%dma_start3A_624, %dma_start3A_625] : memref<10240x16xf32, #tpu.memory_space<hbm>> -> memref<10240x16xf32, #tpu.memory_space<hbm>>
          tpu.enqueue_indirect_dma source(%dma_start3A_626 : memref<10240x16xf32, #tpu.memory_space<hbm>>) target(%dma_start3A_620 : memref<256x16xf32, #tpu.memory_space<vmem>>) offsets(%dma_start3A_623 : memref<256xi32, #tpu.memory_space<vmem>>) semaphore(%arg27 : memref<!tpu.dma_semaphore, #tpu.memory_space<semaphore_mem>>)
          %mul3A_627 = arith.constant 2 : i32
          %mul3A_628 = arith.muli %add3A_610, %mul3A_627 : i32
          %add3A_629 = arith.constant 1 : i32
          %add3A_630 = arith.addi %mul3A_628, %add3A_629 : i32
          %dma_start3A_631 = arith.constant 2 : i32
          %dma_start3A_632 = arith.constant 1 : i32
          %dma_start3A_633 = arith.constant 0 : i32
          %dma_start3A_634 = arith.constant 0 : i32
          %dma_start3A_635 = tpu.memref_slice %arg15[%dma_start3A_631, %dma_start3A_632, %dma_start3A_633, %dma_start3A_634] : memref<4x2x256x16xf32, #tpu.memory_space<vmem>> -> memref<1x1x256x16xf32, #tpu.memory_space<vmem>>
          %dma_start3A_636 = tpu.memref_squeeze %dma_start3A_635 : memref<1x1x256x16xf32, #tpu.memory_space<vmem>> -> memref<256x16xf32, #tpu.memory_space<vmem>>
          %dma_start3A_637 = arith.constant 0 : i32
          %dma_start3A_638 = tpu.memref_slice %arg13[%add3A_630, %dma_start3A_637] : memref<80x256xi32, #tpu.memory_space<vmem>> -> memref<1x256xi32, #tpu.memory_space<vmem>>
          %dma_start3A_639 = tpu.memref_squeeze %dma_start3A_638 : memref<1x256xi32, #tpu.memory_space<vmem>> -> memref<256xi32, #tpu.memory_space<vmem>>
          %dma_start3A_640 = arith.constant 0 : i32
          %dma_start3A_641 = arith.constant 0 : i32
          %dma_start3A_642 = tpu.memref_slice %arg10[%dma_start3A_640, %dma_start3A_641] : memref<10240x16xf32, #tpu.memory_space<hbm>> -> memref<10240x16xf32, #tpu.memory_space<hbm>>
          tpu.enqueue_indirect_dma source(%dma_start3A_642 : memref<10240x16xf32, #tpu.memory_space<hbm>>) target(%dma_start3A_636 : memref<256x16xf32, #tpu.memory_space<vmem>>) offsets(%dma_start3A_639 : memref<256xi32, #tpu.memory_space<vmem>>) semaphore(%arg27 : memref<!tpu.dma_semaphore, #tpu.memory_space<semaphore_mem>>)
        } else {
        }
        %dma_wait3A_570 = arith.constant 3 : i32
        %dma_wait3A_571 = arith.constant 0 : i32
        %dma_wait3A_572 = arith.constant 0 : i32
        %dma_wait3A_573 = arith.constant 0 : i32
        %dma_wait3A_574 = tpu.memref_slice %arg15[%dma_wait3A_570, %dma_wait3A_571, %dma_wait3A_572, %dma_wait3A_573] : memref<4x2x256x16xf32, #tpu.memory_space<vmem>> -> memref<1x1x256x16xf32, #tpu.memory_space<vmem>>
        %dma_wait3A_575 = tpu.memref_squeeze %dma_wait3A_574 : memref<1x1x256x16xf32, #tpu.memory_space<vmem>> -> memref<256x16xf32, #tpu.memory_space<vmem>>
        %dma_wait3A_576 = arith.constant 0 : i32
        %dma_wait3A_577 = arith.constant 0 : i32
        %dma_wait3A_578 = tpu.memref_slice %arg11[%dma_wait3A_576, %dma_wait3A_577] : memref<10240x16xf32, #tpu.memory_space<vmem_shared>> -> memref<256x16xf32, #tpu.memory_space<vmem_shared>>
        %dma_wait3A_579 = arith.constant 0 : i32
        %dma_wait3A_580 = arith.constant 0 : i32
        %dma_wait3A_581 = tpu.memref_slice %arg11[%dma_wait3A_579, %dma_wait3A_580] : memref<10240x16xf32, #tpu.memory_space<vmem_shared>> -> memref<256x16xf32, #tpu.memory_space<vmem_shared>>
        %dma_wait3A_582 = arith.constant 0 : i32
        %dma_wait3A_583 = arith.constant 0 : i32
        %dma_wait3A_584 = tpu.memref_slice %arg15[%dma_wait3A_570, %dma_wait3A_571, %dma_wait3A_582, %dma_wait3A_583] : memref<4x2x256x16xf32, #tpu.memory_space<vmem>> -> memref<1x1x256x16xf32, #tpu.memory_space<vmem>>
        %dma_wait3A_585 = tpu.memref_squeeze %dma_wait3A_584 : memref<1x1x256x16xf32, #tpu.memory_space<vmem>> -> memref<256x16xf32, #tpu.memory_space<vmem>>
        tpu.wait_dma2 semaphore(%arg32 : memref<!tpu.dma_semaphore, #tpu.memory_space<semaphore_mem>>) src(%dma_wait3A_585 : memref<256x16xf32, #tpu.memory_space<vmem>>) dst(%dma_wait3A_581 : memref<256x16xf32, #tpu.memory_space<vmem_shared>>)
        %dma_wait3A_586 = arith.constant 3 : i32
        %dma_wait3A_587 = arith.constant 1 : i32
        %dma_wait3A_588 = arith.constant 0 : i32
        %dma_wait3A_589 = arith.constant 0 : i32
        %dma_wait3A_590 = tpu.memref_slice %arg15[%dma_wait3A_586, %dma_wait3A_587, %dma_wait3A_588, %dma_wait3A_589] : memref<4x2x256x16xf32, #tpu.memory_space<vmem>> -> memref<1x1x256x16xf32, #tpu.memory_space<vmem>>
        %dma_wait3A_591 = tpu.memref_squeeze %dma_wait3A_590 : memref<1x1x256x16xf32, #tpu.memory_space<vmem>> -> memref<256x16xf32, #tpu.memory_space<vmem>>
        %dma_wait3A_592 = arith.constant 0 : i32
        %dma_wait3A_593 = arith.constant 0 : i32
        %dma_wait3A_594 = tpu.memref_slice %arg11[%dma_wait3A_592, %dma_wait3A_593] : memref<10240x16xf32, #tpu.memory_space<vmem_shared>> -> memref<256x16xf32, #tpu.memory_space<vmem_shared>>
        %dma_wait3A_595 = arith.constant 0 : i32
        %dma_wait3A_596 = arith.constant 0 : i32
        %dma_wait3A_597 = tpu.memref_slice %arg11[%dma_wait3A_595, %dma_wait3A_596] : memref<10240x16xf32, #tpu.memory_space<vmem_shared>> -> memref<256x16xf32, #tpu.memory_space<vmem_shared>>
        %dma_wait3A_598 = arith.constant 0 : i32
        %dma_wait3A_599 = arith.constant 0 : i32
        %dma_wait3A_600 = tpu.memref_slice %arg15[%dma_wait3A_586, %dma_wait3A_587, %dma_wait3A_598, %dma_wait3A_599] : memref<4x2x256x16xf32, #tpu.memory_space<vmem>> -> memref<1x1x256x16xf32, #tpu.memory_space<vmem>>
        %dma_wait3A_601 = tpu.memref_squeeze %dma_wait3A_600 : memref<1x1x256x16xf32, #tpu.memory_space<vmem>> -> memref<256x16xf32, #tpu.memory_space<vmem>>
        tpu.wait_dma2 semaphore(%arg32 : memref<!tpu.dma_semaphore, #tpu.memory_space<semaphore_mem>>) src(%dma_wait3A_601 : memref<256x16xf32, #tpu.memory_space<vmem>>) dst(%dma_wait3A_597 : memref<256x16xf32, #tpu.memory_space<vmem_shared>>)
        %lt3A_602 = arith.constant 9 : i32
        %lt3A_603 = arith.cmpi slt, %scan3A_195, %lt3A_602 : i32
        %convert_element_type3A_604 = arith.extui %lt3A_603 : i1 to i32
        %cond3A_605 = arith.constant 0 : i32
        %cond3A_606 = arith.cmpi ne, %convert_element_type3A_604, %cond3A_605 : i32
        scf.if %cond3A_606 {
          %add3A_607 = arith.constant 4 : i32
          %add3A_608 = arith.addi %mul3A_197, %add3A_607 : i32
          %add3A_609 = arith.constant 3 : i32
          %add3A_610 = arith.addi %add3A_608, %add3A_609 : i32
          %mul3A_611 = arith.constant 2 : i32
          %mul3A_612 = arith.muli %add3A_610, %mul3A_611 : i32
          %add3A_613 = arith.constant 0 : i32
          %add3A_614 = arith.addi %mul3A_612, %add3A_613 : i32
          %dma_start3A_615 = arith.constant 3 : i32
          %dma_start3A_616 = arith.constant 0 : i32
          %dma_start3A_617 = arith.constant 0 : i32
          %dma_start3A_618 = arith.constant 0 : i32
          %dma_start3A_619 = tpu.memref_slice %arg15[%dma_start3A_615, %dma_start3A_616, %dma_start3A_617, %dma_start3A_618] : memref<4x2x256x16xf32, #tpu.memory_space<vmem>> -> memref<1x1x256x16xf32, #tpu.memory_space<vmem>>
          %dma_start3A_620 = tpu.memref_squeeze %dma_start3A_619 : memref<1x1x256x16xf32, #tpu.memory_space<vmem>> -> memref<256x16xf32, #tpu.memory_space<vmem>>
          %dma_start3A_621 = arith.constant 0 : i32
          %dma_start3A_622 = tpu.memref_slice %arg13[%add3A_614, %dma_start3A_621] : memref<80x256xi32, #tpu.memory_space<vmem>> -> memref<1x256xi32, #tpu.memory_space<vmem>>
          %dma_start3A_623 = tpu.memref_squeeze %dma_start3A_622 : memref<1x256xi32, #tpu.memory_space<vmem>> -> memref<256xi32, #tpu.memory_space<vmem>>
          %dma_start3A_624 = arith.constant 0 : i32
          %dma_start3A_625 = arith.constant 0 : i32
          %dma_start3A_626 = tpu.memref_slice %arg10[%dma_start3A_624, %dma_start3A_625] : memref<10240x16xf32, #tpu.memory_space<hbm>> -> memref<10240x16xf32, #tpu.memory_space<hbm>>
          tpu.enqueue_indirect_dma source(%dma_start3A_626 : memref<10240x16xf32, #tpu.memory_space<hbm>>) target(%dma_start3A_620 : memref<256x16xf32, #tpu.memory_space<vmem>>) offsets(%dma_start3A_623 : memref<256xi32, #tpu.memory_space<vmem>>) semaphore(%arg28 : memref<!tpu.dma_semaphore, #tpu.memory_space<semaphore_mem>>)
          %mul3A_627 = arith.constant 2 : i32
          %mul3A_628 = arith.muli %add3A_610, %mul3A_627 : i32
          %add3A_629 = arith.constant 1 : i32
          %add3A_630 = arith.addi %mul3A_628, %add3A_629 : i32
          %dma_start3A_631 = arith.constant 3 : i32
          %dma_start3A_632 = arith.constant 1 : i32
          %dma_start3A_633 = arith.constant 0 : i32
          %dma_start3A_634 = arith.constant 0 : i32
          %dma_start3A_635 = tpu.memref_slice %arg15[%dma_start3A_631, %dma_start3A_632, %dma_start3A_633, %dma_start3A_634] : memref<4x2x256x16xf32, #tpu.memory_space<vmem>> -> memref<1x1x256x16xf32, #tpu.memory_space<vmem>>
          %dma_start3A_636 = tpu.memref_squeeze %dma_start3A_635 : memref<1x1x256x16xf32, #tpu.memory_space<vmem>> -> memref<256x16xf32, #tpu.memory_space<vmem>>
          %dma_start3A_637 = arith.constant 0 : i32
          %dma_start3A_638 = tpu.memref_slice %arg13[%add3A_630, %dma_start3A_637] : memref<80x256xi32, #tpu.memory_space<vmem>> -> memref<1x256xi32, #tpu.memory_space<vmem>>
          %dma_start3A_639 = tpu.memref_squeeze %dma_start3A_638 : memref<1x256xi32, #tpu.memory_space<vmem>> -> memref<256xi32, #tpu.memory_space<vmem>>
          %dma_start3A_640 = arith.constant 0 : i32
          %dma_start3A_641 = arith.constant 0 : i32
          %dma_start3A_642 = tpu.memref_slice %arg10[%dma_start3A_640, %dma_start3A_641] : memref<10240x16xf32, #tpu.memory_space<hbm>> -> memref<10240x16xf32, #tpu.memory_space<hbm>>
          tpu.enqueue_indirect_dma source(%dma_start3A_642 : memref<10240x16xf32, #tpu.memory_space<hbm>>) target(%dma_start3A_636 : memref<256x16xf32, #tpu.memory_space<vmem>>) offsets(%dma_start3A_639 : memref<256xi32, #tpu.memory_space<vmem>>) semaphore(%arg28 : memref<!tpu.dma_semaphore, #tpu.memory_space<semaphore_mem>>)
        } else {
        }
      }
      %scan3A_182 = arith.constant 10 : i32
      %barrier3A_183 = arith.constant 0 : index
      tpu.barrier barrier_id(%barrier3A_183)
      "tpu.region"() ({
        %run_scoped3A = tpu.sem_alloc : memref<!tpu.dma_semaphore, #tpu.memory_space<semaphore_mem>>
        %dma_start3A_195 = arith.constant 0 : i32
        %dma_start3A_196 = tpu.memref_slice %arg11[%mul3A_0, %dma_start3A_195] : memref<10240x16xf32, #tpu.memory_space<vmem_shared>> -> memref<640x16xf32, #tpu.memory_space<vmem_shared>>
        %dma_start3A_197 = arith.constant 0 : i32
        %dma_start3A_198 = tpu.memref_slice %arg11[%mul3A_0, %dma_start3A_197] : memref<10240x16xf32, #tpu.memory_space<vmem_shared>> -> memref<640x16xf32, #tpu.memory_space<vmem_shared>>
        tpu.enqueue_dma source(%dma_start3A_198 : memref<640x16xf32, #tpu.memory_space<vmem_shared>>) target(%arg22 : memref<640x16xf32, #tpu.memory_space<vmem>>) target_semaphore(%run_scoped3A : memref<!tpu.dma_semaphore, #tpu.memory_space<semaphore_mem>>)
        %dma_wait3A_199 = arith.constant 0 : i32
        %dma_wait3A_200 = tpu.memref_slice %arg11[%mul3A_0, %dma_wait3A_199] : memref<10240x16xf32, #tpu.memory_space<vmem_shared>> -> memref<640x16xf32, #tpu.memory_space<vmem_shared>>
        %dma_wait3A_201 = arith.constant 0 : i32
        %dma_wait3A_202 = tpu.memref_slice %arg11[%mul3A_0, %dma_wait3A_201] : memref<10240x16xf32, #tpu.memory_space<vmem_shared>> -> memref<640x16xf32, #tpu.memory_space<vmem_shared>>
        tpu.wait_dma2 semaphore(%run_scoped3A : memref<!tpu.dma_semaphore, #tpu.memory_space<semaphore_mem>>) src(%dma_wait3A_202 : memref<640x16xf32, #tpu.memory_space<vmem_shared>>) dst(%arg22 : memref<640x16xf32, #tpu.memory_space<vmem>>)
        tpu.yield
      }) : () -> ()
      %add3A_184 = arith.constant 1 : i32
      %add3A_185 = arith.addi %scan3A_27, %add3A_184 : i32
      %get3A_186 = arith.index_cast %add3A_185 : i32 to index
      %get3A_187 = arith.constant 0 : index
      %get3A_188 = tpu.vector_load %arg16[%get3A_186, %get3A_187] {strides = array<i32>} : memref<16x16xf32, #tpu.memory_space<vmem>>, vector<16xf32>,
      %scan3A_189 = arith.constant 0 : i32
      %scan3A_190 = arith.constant 160 : i32
      %scan3A_191 = arith.addi %scan3A_189, %scan3A_190 : i32
      %scan3A_192 = arith.constant 1 : i32
      scf.for %scan3A_195 = %scan3A_189 to %scan3A_191 step %scan3A_192  : i32 {
        %mul3A_196 = arith.constant 4 : i32
        %mul3A_197 = arith.muli %scan3A_195, %mul3A_196 : i32
        %add3A_198 = arith.constant 0 : i32
        %add3A_199 = arith.addi %mul3A_197, %add3A_198 : i32
        %get3A_200 = arith.index_cast %add3A_199 : i32 to index
        %get3A_201 = arith.constant 0 : index
        %get3A_202 = tpu.vector_load %arg21[%get3A_200, %get3A_201] {strides = array<i32>} : memref<640x16xf32, #tpu.memory_space<vmem>>, vector<16xf32>,
        %get3A_203 = arith.index_cast %add3A_199 : i32 to index
        %get3A_204 = arith.constant 0 : index
        %get3A_205 = tpu.vector_load %arg22[%get3A_203, %get3A_204] {strides = array<i32>} : memref<640x16xf32, #tpu.memory_space<vmem>>, vector<16xf32>,
        %get3A_206 = arith.index_cast %add3A_199 : i32 to index
        %get3A_207 = arith.constant 0 : index
        %get3A_208 = tpu.vector_load %arg23[%get3A_206, %get3A_207] {strides = array<i32>} : memref<640x16xf32, #tpu.memory_space<vmem>>, vector<16xf32>,
        %add3A_209 = arith.addf %get3A_205, %get3A_208 : vector<16xf32>
        %mul3A_210 = arith.mulf %get3A_202, %add3A_209 : vector<16xf32>
        %get3A_211 = arith.index_cast %add3A_199 : i32 to index
        %get3A_212 = arith.constant 0 : index
        %get3A_213 = tpu.vector_load %arg24[%get3A_211, %get3A_212] {strides = array<i32>} : memref<640x16xf32, #tpu.memory_space<vmem>>, vector<16xf32>,
        %mul3A_214 = arith.mulf %get3A_188, %mul3A_210 : vector<16xf32>
        %add3A_215 = arith.addf %get3A_213, %mul3A_214 : vector<16xf32>
        %swap3A = arith.index_cast %add3A_199 : i32 to index
        %swap3A_216 = arith.constant 0 : index
        %swap3A_217 = tpu.vector_load %arg24[%swap3A, %swap3A_216] {strides = array<i32>} : memref<640x16xf32, #tpu.memory_space<vmem>>, vector<16xf32>,
        tpu.vector_store %arg24[%swap3A, %swap3A_216], %add3A_215 {strides = array<i32>} : memref<640x16xf32, #tpu.memory_space<vmem>>, vector<16xf32>,
        %get3A_218 = arith.index_cast %add3A_199 : i32 to index
        %get3A_219 = arith.constant 0 : index
        %get3A_220 = tpu.vector_load %arg21[%get3A_218, %get3A_219] {strides = array<i32>} : memref<640x16xf32, #tpu.memory_space<vmem>>, vector<16xf32>,
        %mul3A_221 = arith.mulf %get3A_220, %mul3A_210 : vector<16xf32>
        %swap3A_222 = arith.index_cast %add3A_199 : i32 to index
        %swap3A_223 = arith.constant 0 : index
        %swap3A_224 = tpu.vector_load %arg23[%swap3A_222, %swap3A_223] {strides = array<i32>} : memref<640x16xf32, #tpu.memory_space<vmem>>, vector<16xf32>,
        tpu.vector_store %arg23[%swap3A_222, %swap3A_223], %mul3A_221 {strides = array<i32>} : memref<640x16xf32, #tpu.memory_space<vmem>>, vector<16xf32>,
        %mul3A_225 = arith.constant 4 : i32
        %mul3A_226 = arith.muli %scan3A_195, %mul3A_225 : i32
        %add3A_227 = arith.constant 1 : i32
        %add3A_228 = arith.addi %mul3A_226, %add3A_227 : i32
        %get3A_229 = arith.index_cast %add3A_228 : i32 to index
        %get3A_230 = arith.constant 0 : index
        %get3A_231 = tpu.vector_load %arg21[%get3A_229, %get3A_230] {strides = array<i32>} : memref<640x16xf32, #tpu.memory_space<vmem>>, vector<16xf32>,
        %get3A_232 = arith.index_cast %add3A_228 : i32 to index
        %get3A_233 = arith.constant 0 : index
        %get3A_234 = tpu.vector_load %arg22[%get3A_232, %get3A_233] {strides = array<i32>} : memref<640x16xf32, #tpu.memory_space<vmem>>, vector<16xf32>,
        %get3A_235 = arith.index_cast %add3A_228 : i32 to index
        %get3A_236 = arith.constant 0 : index
        %get3A_237 = tpu.vector_load %arg23[%get3A_235, %get3A_236] {strides = array<i32>} : memref<640x16xf32, #tpu.memory_space<vmem>>, vector<16xf32>,
        %add3A_238 = arith.addf %get3A_234, %get3A_237 : vector<16xf32>
        %mul3A_239 = arith.mulf %get3A_231, %add3A_238 : vector<16xf32>
        %get3A_240 = arith.index_cast %add3A_228 : i32 to index
        %get3A_241 = arith.constant 0 : index
        %get3A_242 = tpu.vector_load %arg24[%get3A_240, %get3A_241] {strides = array<i32>} : memref<640x16xf32, #tpu.memory_space<vmem>>, vector<16xf32>,
        %mul3A_243 = arith.mulf %get3A_188, %mul3A_239 : vector<16xf32>
        %add3A_244 = arith.addf %get3A_242, %mul3A_243 : vector<16xf32>
        %swap3A_245 = arith.index_cast %add3A_228 : i32 to index
        %swap3A_246 = arith.constant 0 : index
        %swap3A_247 = tpu.vector_load %arg24[%swap3A_245, %swap3A_246] {strides = array<i32>} : memref<640x16xf32, #tpu.memory_space<vmem>>, vector<16xf32>,
        tpu.vector_store %arg24[%swap3A_245, %swap3A_246], %add3A_244 {strides = array<i32>} : memref<640x16xf32, #tpu.memory_space<vmem>>, vector<16xf32>,
        %get3A_248 = arith.index_cast %add3A_228 : i32 to index
        %get3A_249 = arith.constant 0 : index
        %get3A_250 = tpu.vector_load %arg21[%get3A_248, %get3A_249] {strides = array<i32>} : memref<640x16xf32, #tpu.memory_space<vmem>>, vector<16xf32>,
        %mul3A_251 = arith.mulf %get3A_250, %mul3A_239 : vector<16xf32>
        %swap3A_252 = arith.index_cast %add3A_228 : i32 to index
        %swap3A_253 = arith.constant 0 : index
        %swap3A_254 = tpu.vector_load %arg23[%swap3A_252, %swap3A_253] {strides = array<i32>} : memref<640x16xf32, #tpu.memory_space<vmem>>, vector<16xf32>,
        tpu.vector_store %arg23[%swap3A_252, %swap3A_253], %mul3A_251 {strides = array<i32>} : memref<640x16xf32, #tpu.memory_space<vmem>>, vector<16xf32>,
        %mul3A_255 = arith.constant 4 : i32
        %mul3A_256 = arith.muli %scan3A_195, %mul3A_255 : i32
        %add3A_257 = arith.constant 2 : i32
        %add3A_258 = arith.addi %mul3A_256, %add3A_257 : i32
        %get3A_259 = arith.index_cast %add3A_258 : i32 to index
        %get3A_260 = arith.constant 0 : index
        %get3A_261 = tpu.vector_load %arg21[%get3A_259, %get3A_260] {strides = array<i32>} : memref<640x16xf32, #tpu.memory_space<vmem>>, vector<16xf32>,
        %get3A_262 = arith.index_cast %add3A_258 : i32 to index
        %get3A_263 = arith.constant 0 : index
        %get3A_264 = tpu.vector_load %arg22[%get3A_262, %get3A_263] {strides = array<i32>} : memref<640x16xf32, #tpu.memory_space<vmem>>, vector<16xf32>,
        %get3A_265 = arith.index_cast %add3A_258 : i32 to index
        %get3A_266 = arith.constant 0 : index
        %get3A_267 = tpu.vector_load %arg23[%get3A_265, %get3A_266] {strides = array<i32>} : memref<640x16xf32, #tpu.memory_space<vmem>>, vector<16xf32>,
        %add3A_268 = arith.addf %get3A_264, %get3A_267 : vector<16xf32>
        %mul3A_269 = arith.mulf %get3A_261, %add3A_268 : vector<16xf32>
        %get3A_270 = arith.index_cast %add3A_258 : i32 to index
        %get3A_271 = arith.constant 0 : index
        %get3A_272 = tpu.vector_load %arg24[%get3A_270, %get3A_271] {strides = array<i32>} : memref<640x16xf32, #tpu.memory_space<vmem>>, vector<16xf32>,
        %mul3A_273 = arith.mulf %get3A_188, %mul3A_269 : vector<16xf32>
        %add3A_274 = arith.addf %get3A_272, %mul3A_273 : vector<16xf32>
        %swap3A_275 = arith.index_cast %add3A_258 : i32 to index
        %swap3A_276 = arith.constant 0 : index
        %swap3A_277 = tpu.vector_load %arg24[%swap3A_275, %swap3A_276] {strides = array<i32>} : memref<640x16xf32, #tpu.memory_space<vmem>>, vector<16xf32>,
        tpu.vector_store %arg24[%swap3A_275, %swap3A_276], %add3A_274 {strides = array<i32>} : memref<640x16xf32, #tpu.memory_space<vmem>>, vector<16xf32>,
        %get3A_278 = arith.index_cast %add3A_258 : i32 to index
        %get3A_279 = arith.constant 0 : index
        %get3A_280 = tpu.vector_load %arg21[%get3A_278, %get3A_279] {strides = array<i32>} : memref<640x16xf32, #tpu.memory_space<vmem>>, vector<16xf32>,
        %mul3A_281 = arith.mulf %get3A_280, %mul3A_269 : vector<16xf32>
        %swap3A_282 = arith.index_cast %add3A_258 : i32 to index
        %swap3A_283 = arith.constant 0 : index
        %swap3A_284 = tpu.vector_load %arg23[%swap3A_282, %swap3A_283] {strides = array<i32>} : memref<640x16xf32, #tpu.memory_space<vmem>>, vector<16xf32>,
        tpu.vector_store %arg23[%swap3A_282, %swap3A_283], %mul3A_281 {strides = array<i32>} : memref<640x16xf32, #tpu.memory_space<vmem>>, vector<16xf32>,
        %mul3A_285 = arith.constant 4 : i32
        %mul3A_286 = arith.muli %scan3A_195, %mul3A_285 : i32
        %add3A_287 = arith.constant 3 : i32
        %add3A_288 = arith.addi %mul3A_286, %add3A_287 : i32
        %get3A_289 = arith.index_cast %add3A_288 : i32 to index
        %get3A_290 = arith.constant 0 : index
        %get3A_291 = tpu.vector_load %arg21[%get3A_289, %get3A_290] {strides = array<i32>} : memref<640x16xf32, #tpu.memory_space<vmem>>, vector<16xf32>,
        %get3A_292 = arith.index_cast %add3A_288 : i32 to index
        %get3A_293 = arith.constant 0 : index
        %get3A_294 = tpu.vector_load %arg22[%get3A_292, %get3A_293] {strides = array<i32>} : memref<640x16xf32, #tpu.memory_space<vmem>>, vector<16xf32>,
        %get3A_295 = arith.index_cast %add3A_288 : i32 to index
        %get3A_296 = arith.constant 0 : index
        %get3A_297 = tpu.vector_load %arg23[%get3A_295, %get3A_296] {strides = array<i32>} : memref<640x16xf32, #tpu.memory_space<vmem>>, vector<16xf32>,
        %add3A_298 = arith.addf %get3A_294, %get3A_297 : vector<16xf32>
        %mul3A_299 = arith.mulf %get3A_291, %add3A_298 : vector<16xf32>
        %get3A_300 = arith.index_cast %add3A_288 : i32 to index
        %get3A_301 = arith.constant 0 : index
        %get3A_302 = tpu.vector_load %arg24[%get3A_300, %get3A_301] {strides = array<i32>} : memref<640x16xf32, #tpu.memory_space<vmem>>, vector<16xf32>,
        %mul3A_303 = arith.mulf %get3A_188, %mul3A_299 : vector<16xf32>
        %add3A_304 = arith.addf %get3A_302, %mul3A_303 : vector<16xf32>
        %swap3A_305 = arith.index_cast %add3A_288 : i32 to index
        %swap3A_306 = arith.constant 0 : index
        %swap3A_307 = tpu.vector_load %arg24[%swap3A_305, %swap3A_306] {strides = array<i32>} : memref<640x16xf32, #tpu.memory_space<vmem>>, vector<16xf32>,
        tpu.vector_store %arg24[%swap3A_305, %swap3A_306], %add3A_304 {strides = array<i32>} : memref<640x16xf32, #tpu.memory_space<vmem>>, vector<16xf32>,
        %get3A_308 = arith.index_cast %add3A_288 : i32 to index
        %get3A_309 = arith.constant 0 : index
        %get3A_310 = tpu.vector_load %arg21[%get3A_308, %get3A_309] {strides = array<i32>} : memref<640x16xf32, #tpu.memory_space<vmem>>, vector<16xf32>,
        %mul3A_311 = arith.mulf %get3A_310, %mul3A_299 : vector<16xf32>
        %swap3A_312 = arith.index_cast %add3A_288 : i32 to index
        %swap3A_313 = arith.constant 0 : index
        %swap3A_314 = tpu.vector_load %arg23[%swap3A_312, %swap3A_313] {strides = array<i32>} : memref<640x16xf32, #tpu.memory_space<vmem>>, vector<16xf32>,
        tpu.vector_store %arg23[%swap3A_312, %swap3A_313], %mul3A_311 {strides = array<i32>} : memref<640x16xf32, #tpu.memory_space<vmem>>, vector<16xf32>,
      }
      %scan3A_193 = arith.constant 160 : i32
      "tpu.region"() ({
        %run_scoped3A = tpu.sem_alloc : memref<!tpu.dma_semaphore, #tpu.memory_space<semaphore_mem>>
        %dma_start3A_195 = arith.constant 0 : i32
        %dma_start3A_196 = tpu.memref_slice %arg10[%mul3A_0, %dma_start3A_195] : memref<10240x16xf32, #tpu.memory_space<hbm>> -> memref<640x16xf32, #tpu.memory_space<hbm>>
        %dma_start3A_197 = arith.constant 0 : i32
        %dma_start3A_198 = tpu.memref_slice %arg10[%mul3A_0, %dma_start3A_197] : memref<10240x16xf32, #tpu.memory_space<hbm>> -> memref<640x16xf32, #tpu.memory_space<hbm>>
        tpu.enqueue_dma source(%arg23 : memref<640x16xf32, #tpu.memory_space<vmem>>) target(%dma_start3A_198 : memref<640x16xf32, #tpu.memory_space<hbm>>) target_semaphore(%run_scoped3A : memref<!tpu.dma_semaphore, #tpu.memory_space<semaphore_mem>>)
        %dma_wait3A_199 = arith.constant 0 : i32
        %dma_wait3A_200 = tpu.memref_slice %arg10[%mul3A_0, %dma_wait3A_199] : memref<10240x16xf32, #tpu.memory_space<hbm>> -> memref<640x16xf32, #tpu.memory_space<hbm>>
        %dma_wait3A_201 = arith.constant 0 : i32
        %dma_wait3A_202 = tpu.memref_slice %arg10[%mul3A_0, %dma_wait3A_201] : memref<10240x16xf32, #tpu.memory_space<hbm>> -> memref<640x16xf32, #tpu.memory_space<hbm>>
        tpu.wait_dma2 semaphore(%run_scoped3A : memref<!tpu.dma_semaphore, #tpu.memory_space<semaphore_mem>>) src(%arg23 : memref<640x16xf32, #tpu.memory_space<vmem>>) dst(%dma_wait3A_202 : memref<640x16xf32, #tpu.memory_space<hbm>>)
        tpu.yield
      }) : () -> ()
      %barrier3A_194 = arith.constant 0 : index
      tpu.barrier barrier_id(%barrier3A_194)
    }
    %scan3A_26 = arith.constant 10 : i32
    "tpu.region"() ({
      %run_scoped3A = tpu.sem_alloc : memref<!tpu.dma_semaphore, #tpu.memory_space<semaphore_mem>>
      %dma_start3A = arith.constant 0 : i32
      %dma_start3A_27 = tpu.memref_slice %arg9[%mul3A_0, %dma_start3A] : memref<10240x16xf32, #tpu.memory_space<hbm>> -> memref<640x16xf32, #tpu.memory_space<hbm>>
      %dma_start3A_28 = arith.constant 0 : i32
      %dma_start3A_29 = tpu.memref_slice %arg9[%mul3A_0, %dma_start3A_28] : memref<10240x16xf32, #tpu.memory_space<hbm>> -> memref<640x16xf32, #tpu.memory_space<hbm>>
      tpu.enqueue_dma source(%arg24 : memref<640x16xf32, #tpu.memory_space<vmem>>) target(%dma_start3A_29 : memref<640x16xf32, #tpu.memory_space<hbm>>) target_semaphore(%run_scoped3A : memref<!tpu.dma_semaphore, #tpu.memory_space<semaphore_mem>>)
      %dma_wait3A = arith.constant 0 : i32
      %dma_wait3A_30 = tpu.memref_slice %arg9[%mul3A_0, %dma_wait3A] : memref<10240x16xf32, #tpu.memory_space<hbm>> -> memref<640x16xf32, #tpu.memory_space<hbm>>
      %dma_wait3A_31 = arith.constant 0 : i32
      %dma_wait3A_32 = tpu.memref_slice %arg9[%mul3A_0, %dma_wait3A_31] : memref<10240x16xf32, #tpu.memory_space<hbm>> -> memref<640x16xf32, #tpu.memory_space<hbm>>
      tpu.wait_dma2 semaphore(%run_scoped3A : memref<!tpu.dma_semaphore, #tpu.memory_space<semaphore_mem>>) src(%arg24 : memref<640x16xf32, #tpu.memory_space<vmem>>) dst(%dma_wait3A_32 : memref<640x16xf32, #tpu.memory_space<hbm>>)
      tpu.yield
    }) : () -> ()
    return
  }
}

module attributes {stable_mosaic.version = 14 : i64} {
  func.func @_mlp_body(%arg0: i32, %arg1: memref<1280x128xf32, #tpu.memory_space<vmem>>, %arg2: memref<128x64xf32, #tpu.memory_space<vmem>>, %arg3: memref<1x64xf32, #tpu.memory_space<vmem>>, %arg4: memref<64x16xf32, #tpu.memory_space<vmem>>, %arg5: memref<1x16xf32, #tpu.memory_space<vmem>>, %arg6: memref<1280x16xf32, #tpu.memory_space<vmem>>) attributes {dimension_semantics = [#tpu.dimension_semantics<arbitrary>], iteration_bounds = array<i64: 8>, scalar_prefetch = 0 : i64, scratch_operands = 0 : i64, tpu.core_type = #tpu.core_type<tc>, window_params = [{transform_indices = @transform_0, window_bounds = array<i64: 1280, 128>}, {pipeline_mode = #tpu.pipeline_mode<synchronous>, transform_indices = @transform_1, window_bounds = array<i64: 128, 64>}, {pipeline_mode = #tpu.pipeline_mode<synchronous>, transform_indices = @transform_2, window_bounds = array<i64: 1, 64>}, {pipeline_mode = #tpu.pipeline_mode<synchronous>, transform_indices = @transform_3, window_bounds = array<i64: 64, 16>}, {pipeline_mode = #tpu.pipeline_mode<synchronous>, transform_indices = @transform_4, window_bounds = array<i64: 1, 16>}, {transform_indices = @transform_5, window_bounds = array<i64: 1280, 16>}]} {
    %get3A = arith.constant 0 : index
    %get3A_0 = arith.constant 0 : index
    %get3A_1 = vector.load %arg1[%get3A, %get3A_0] : memref<1280x128xf32, #tpu.memory_space<vmem>>, vector<1280x128xf32>
    %get3A_2 = arith.constant 0 : index
    %get3A_3 = arith.constant 0 : index
    %get3A_4 = vector.load %arg2[%get3A_2, %get3A_3] : memref<128x64xf32, #tpu.memory_space<vmem>>, vector<128x64xf32>
    %dot_general3A = arith.constant dense<0.000000e+00> : vector<1280x64xf32>
    %dot_general3A_5 = tpu.matmul %get3A_1, %get3A_4, %dot_general3A {dimension_numbers = #tpu.dot_dimension_numbers<[1], [0], [0], [1], [0, 0, 1, 1], [], []>, transpose_lhs_hint = false} : vector<1280x128xf32>, vector<128x64xf32>, vector<1280x64xf32> -> vector<1280x64xf32>
    %get3A_6 = arith.constant 0 : index
    %get3A_7 = arith.constant 0 : index
    %get3A_8 = vector.load %arg3[%get3A_6, %get3A_7] : memref<1x64xf32, #tpu.memory_space<vmem>>, vector<1x64xf32>
    %add3A = vector.broadcast %get3A_8 : vector<1x64xf32> to vector<1280x64xf32>
    %add3A_9 = arith.addf %dot_general3A_5, %add3A : vector<1280x64xf32>
    %max3A = arith.constant 0.000000e+00 : f32
    %max3A_10 = vector.broadcast %max3A : f32 to vector<1280x64xf32>
    %max3A_11 = arith.maximumf %add3A_9, %max3A_10 : vector<1280x64xf32>
    %get3A_12 = arith.constant 0 : index
    %get3A_13 = arith.constant 0 : index
    %get3A_14 = vector.load %arg4[%get3A_12, %get3A_13] : memref<64x16xf32, #tpu.memory_space<vmem>>, vector<64x16xf32>
    %dot_general3A_15 = arith.constant dense<0.000000e+00> : vector<1280x16xf32>
    %dot_general3A_16 = tpu.matmul %max3A_11, %get3A_14, %dot_general3A_15 {dimension_numbers = #tpu.dot_dimension_numbers<[1], [0], [0], [1], [0, 0, 1, 1], [], []>, transpose_lhs_hint = false} : vector<1280x64xf32>, vector<64x16xf32>, vector<1280x16xf32> -> vector<1280x16xf32>
    %get3A_17 = arith.constant 0 : index
    %get3A_18 = arith.constant 0 : index
    %get3A_19 = vector.load %arg5[%get3A_17, %get3A_18] : memref<1x16xf32, #tpu.memory_space<vmem>>, vector<1x16xf32>
    %add3A_20 = vector.broadcast %get3A_19 : vector<1x16xf32> to vector<1280x16xf32>
    %add3A_21 = arith.addf %dot_general3A_16, %add3A_20 : vector<1280x16xf32>
    %swap3A = arith.constant 0 : index
    %swap3A_22 = arith.constant 0 : index
    %swap3A_23 = vector.load %arg6[%swap3A, %swap3A_22] : memref<1280x16xf32, #tpu.memory_space<vmem>>, vector<1280x16xf32>
    tpu.vector_store %arg6[%swap3A, %swap3A_22], %add3A_21 {strides = array<i32>} : memref<1280x16xf32, #tpu.memory_space<vmem>>, vector<1280x16xf32>,
    return
  }
  func.func @transform_0(%arg0: i32) -> (i32, i32) {
    %c0_i32 = arith.constant 0 : i32
    %c0_i32_0 = arith.constant 0 : i32
    return %arg0, %c0_i32 : i32, i32
  }
  func.func @transform_1(%arg0: i32) -> (i32, i32) {
    %c0_i32 = arith.constant 0 : i32
    %c0_i32_0 = arith.constant 0 : i32
    %c0_i32_1 = arith.constant 0 : i32
    return %c0_i32, %c0_i32_0 : i32, i32
  }
  func.func @transform_2(%arg0: i32) -> (i32, i32) {
    %c0_i32 = arith.constant 0 : i32
    %c0_i32_0 = arith.constant 0 : i32
    %c0_i32_1 = arith.constant 0 : i32
    return %c0_i32, %c0_i32_0 : i32, i32
  }
  func.func @transform_3(%arg0: i32) -> (i32, i32) {
    %c0_i32 = arith.constant 0 : i32
    %c0_i32_0 = arith.constant 0 : i32
    %c0_i32_1 = arith.constant 0 : i32
    return %c0_i32, %c0_i32_0 : i32, i32
  }
  func.func @transform_4(%arg0: i32) -> (i32, i32) {
    %c0_i32 = arith.constant 0 : i32
    %c0_i32_0 = arith.constant 0 : i32
    %c0_i32_1 = arith.constant 0 : i32
    return %c0_i32, %c0_i32_0 : i32, i32
  }
  func.func @transform_5(%arg0: i32) -> (i32, i32) {
    %c0_i32 = arith.constant 0 : i32
    %c0_i32_0 = arith.constant 0 : i32
    return %arg0, %c0_i32 : i32, i32
  }
}

module attributes {stable_mosaic.version = 14 : i64} {
  func.func @_lsm_body(%arg0: i32, %arg1: memref<1000x16xf32, #tpu.memory_space<vmem>>, %arg2: memref<1000x16xf32, #tpu.memory_space<vmem>>) attributes {dimension_semantics = [#tpu.dimension_semantics<arbitrary>], iteration_bounds = array<i64: 10>, scalar_prefetch = 0 : i64, scratch_operands = 0 : i64, tpu.core_type = #tpu.core_type<tc>, window_params = [{transform_indices = @transform_0, window_bounds = array<i64: 1000, 16>}, {transform_indices = @transform_1, window_bounds = array<i64: 1000, 16>}]} {
    %get3A = arith.constant 0 : index
    %get3A_0 = arith.constant 0 : index
    %get3A_1 = vector.load %arg1[%get3A, %get3A_0] : memref<1000x16xf32, #tpu.memory_space<vmem>>, vector<1000x16xf32>
    %reduce_max3A = arith.constant dense<0xFF800000> : vector<1000xf32>
    %reduce_max3A_2 = vector.multi_reduction <maximumf>, %get3A_1, %reduce_max3A [1] : vector<1000x16xf32> to vector<1000xf32>
    %broadcast_in_dim3A = vector.shape_cast %reduce_max3A_2 : vector<1000xf32> to vector<1000x1xf32>
    %sub3A = vector.broadcast %broadcast_in_dim3A : vector<1000x1xf32> to vector<1000x16xf32>
    %sub3A_3 = arith.subf %get3A_1, %sub3A : vector<1000x16xf32>
    %exp3A = math.exp %sub3A_3 : vector<1000x16xf32>
    %reduce_sum3A = arith.constant dense<0.000000e+00> : vector<1000xf32>
    %reduce_sum3A_4 = vector.multi_reduction <add>, %exp3A, %reduce_sum3A [1] : vector<1000x16xf32> to vector<1000xf32>
    %broadcast_in_dim3A_5 = vector.shape_cast %reduce_sum3A_4 : vector<1000xf32> to vector<1000x1xf32>
    %sub3A_6 = vector.broadcast %broadcast_in_dim3A : vector<1000x1xf32> to vector<1000x16xf32>
    %sub3A_7 = arith.subf %get3A_1, %sub3A_6 : vector<1000x16xf32>
    %log3A = math.log %broadcast_in_dim3A_5 : vector<1000x1xf32>
    %sub3A_8 = vector.broadcast %log3A : vector<1000x1xf32> to vector<1000x16xf32>
    %sub3A_9 = arith.subf %sub3A_7, %sub3A_8 : vector<1000x16xf32>
    %swap3A = arith.constant 0 : index
    %swap3A_10 = arith.constant 0 : index
    %swap3A_11 = vector.load %arg2[%swap3A, %swap3A_10] : memref<1000x16xf32, #tpu.memory_space<vmem>>, vector<1000x16xf32>
    tpu.vector_store %arg2[%swap3A, %swap3A_10], %sub3A_9 {strides = array<i32>} : memref<1000x16xf32, #tpu.memory_space<vmem>>, vector<1000x16xf32>,
    return
  }
  func.func @transform_0(%arg0: i32) -> (i32, i32) {
    %c0_i32 = arith.constant 0 : i32
    %c0_i32_0 = arith.constant 0 : i32
    return %arg0, %c0_i32 : i32, i32
  }
  func.func @transform_1(%arg0: i32) -> (i32, i32) {
    %c0_i32 = arith.constant 0 : i32
    %c0_i32_0 = arith.constant 0 : i32
    return %arg0, %c0_i32 : i32, i32
  }
}

</mosaic_0001>

<sc_bundles>
// kernel: kernel.5.cloned.1.call-start
scs
__scs_entry_jumppad:
0x0: {  	(pc) =	sbr.rel $0x88, $3  }
0x1: {  	(tag) =	ssettag $0x0;
	lr =	simm.s32 $0x1  }
0x2: {  	[smem:$0x3F9A] =	sst lr;
	_ =	strace $0xD0000000  }
0x3: {  	_ = 	snop  }
0x4: {  	_ = 	snop  }
0x5: {  	_ = 	snop  }
0x6: {  	_ = 	snop  }
0x7: {  	_ = 	snop  }
__scs_overlays_trampoline_lowered:
0x8: {  	[smem:$0x3FA9] =	sst s0  }
0x9: {  	[smem:$0x3FAA] =	sst s1  }
0xa: {  	[smem:$0x3FAB] =	sst s2  }
0xb: {  	[smem:$0x3FAC] =	sst s3  }
0xc: {  	[smem:$0x3FAD] =	sst s4  }
0xd: {  	[smem:$0x3FAE] =	sst s5  }
0xe: {  	[smem:$0x3FAF] =	sst s6  }
0xf: {  	[smem:$0x3FB0] =	sst s7  }
0x10: {  	[smem:$0x3FB1] =	sst s8  }
0x11: {  	[smem:$0x3FB2] =	sst s9;
	s0 =	simm.s32 @!p0 $0x0  }
0x12: {  	s1 =	sld [smem:$0x3F98];
	s0 =	simm.s32 @p0 $0x1  }
0x13: {  	[smem:$0x3FB3] =	sst s0;
	s0 =	simm.s32 @!p1 $0x0  }
0x14: {  	s2 =	sld [smem:$0x3F97];
	s0 =	simm.s32 @p1 $0x1  }
0x15: {  	[smem:$0x3FB4] =	sst s0;
	s0 =	simm.s32 @!p2 $0x0  }
0x16: {  	s3 =	sld [smem:$0x3FDB];
	s0 =	simm.s32 @p2 $0x1  }
0x17: {  	s4 =	simm.s32 $0x1BF5;
	[smem:$0x3FB6] =	sst s0  }
0x18: {  	s0 =	sld [smem:$0x3F99];
	_ =	swait.ge [sflag:s4], $0x0  }
0x19: {  	s7 =	sld [smem:$0x3F9A]  }
0x1a: {  	s8 =	sadd.s32 $0xFFFFE003, lr  }
0x1b: {  	s9 =	sadd.s32 $0xFFFFFEF7, lr;
	s5 =	simm.s32 $0xFFFFFFFF;
	p2 =	slt.u32 s8, $0xFFFFF086  }
0x1c: {  	p1 =	slt.u32 s9, $0xF7A;
	s5 =	simm.s32 @!p2 $0x0  }
0x1d: {  	s5 =	simm.s32 @p1 $0x1;
	p0 =	seq.s32 s7, s2  }
0x1e: {  	s7 =	smul.u32 @!p0 $0xF7A, s2;
	p2 =	seq.s32 @!p0 s5, $0x0  }
0x1f: {  	s9 =	smul.u32 $0xF7A, s1;
	s8 =	simm.s32 @!p0 $0x1BF5;
	p2 =	por !p2, p0  }
0x20: {  	[sflag:s8] =	ssyncset.s32 @!p0 $0xFFFFF086;
	s6 =	sadd.s32 @!p0 s3, s7;
	s7 =	simm.s32 @!p0 $0x108  }
0x21: {  	s3 =	sadd.s32 s3, s9;
	s6 =	sadd.s32 @!p0 $0x88, s6;
	s7 =	simm.s32 @p2 $0x1082  }
0x22: {  	[simem:s7], [sflag:s8] =	dma.local @!p0 [hbm:s6], $0xF7A  }
0x23: {  	s9 =	sor.u32 $0xD0000000, s2;
	s6 =	simm.s32 $0x108;
	_ =	swait.ge @!p0 [sflag:s8], $0x0  }
0x24: {  	s3 =	sadd.s32 $0x88, s3;
	s6 =	simm.s32 @!p1 $0x1082;
	[sflag:s4] =	ssyncset.s32 $0xFFFFF086  }
0x25: {  	[simem:s6], [sflag:s4] =	dma.local [hbm:s3], $0xF7A  }
0x26: {  	[smem:$0x3F9A] =	sst s1;
	(tag) =	ssettag s2;
	_ =	strace s9  }
0x27: {  	s1 =	sld [smem:$0x3FAA]  }
0x28: {  	s2 =	sld [smem:$0x3FAB]  }
0x29: {  	s4 =	sld [smem:$0x3FAD]  }
0x2a: {  	p0 =	seq.s32 s5, $0x0;
	s5 =	sld [smem:$0x3FAE]  }
0x2b: {  	s6 =	sld [smem:$0x3FAF]  }
0x2c: {  	s7 =	sld [smem:$0x3FB0]  }
0x2d: {  	s3 =	simm.s32 $0x108;
	s8 =	sld [smem:$0x3FB1]  }
0x2e: {  	s3 =	simm.s32 @!p0 $0x1082;
	s9 =	sld [smem:$0x3FB2]  }
0x2f: {  	lr =	sadd.s32 s0, s3;
	s0 =	sld [smem:$0x3FA9]  }
0x30: {  	s3 =	sld [smem:$0x3FAC]  }
0x31: {  	[smem:$0x3FB5] =	sst s10  }
0x32: {  	s10 =	sld [smem:$0x3FB3];
	_ =	sdelay $0x3  }
0x33: {  	p0 =	seq.s32 s10, $0x1;
	s10 =	sld [smem:$0x3FB5];
	_ =	sdelay $0x3  }
0x34: {  	[smem:$0x3FB5] =	sst s10  }
0x35: {  	s10 =	sld [smem:$0x3FB4];
	_ =	sdelay $0x3  }
0x36: {  	p1 =	seq.s32 s10, $0x1;
	s10 =	sld [smem:$0x3FB5];
	_ =	sdelay $0x3  }
0x37: {  	[smem:$0x3FB5] =	sst s10  }
0x38: {  	s10 =	sld [smem:$0x3FB6]  }
0x39: {  	_ = 	snop;
	(pc) =	sbr.ind lr, $3  }
0x3a: {  	_ = 	snop  }
0x3b: {  	_ = 	snop  }
0x3c: {  	p2 =	seq.s32 s10, $0x1;
	s10 =	sld [smem:$0x3FB5]  }
0x3d: {  	_ =	shalt  }
0x3e: {  	_ =	shalt  }
0x3f: {  	_ =	shalt  }
0x40: {  	_ =	shalt  }
0x41: {  	_ =	shalt  }
0x42: {  	_ =	shalt  }
0x43: {  	_ =	shalt  }
0x44: {  	_ =	shalt  }
0x45: {  	_ =	shalt  }
0x46: {  	_ =	shalt  }
0x47: {  	_ =	shalt  }
0x48: {  	_ =	shalt  }
0x49: {  	_ =	shalt  }
0x4a: {  	_ =	shalt  }
0x4b: {  	_ =	shalt  }
0x4c: {  	_ =	shalt  }
0x4d: {  	_ =	shalt  }
0x4e: {  	_ =	shalt  }
0x4f: {  	_ =	shalt  }
0x50: {  	_ =	shalt  }
0x51: {  	_ =	shalt  }
0x52: {  	_ =	shalt  }
0x53: {  	_ =	shalt  }
0x54: {  	_ =	shalt  }
0x55: {  	_ =	shalt  }
0x56: {  	_ =	shalt  }
0x57: {  	_ =	shalt  }
0x58: {  	_ =	shalt  }
0x59: {  	_ =	shalt  }
0x5a: {  	_ =	shalt  }
0x5b: {  	_ =	shalt  }
0x5c: {  	_ =	shalt  }
0x5d: {  	_ =	shalt  }
0x5e: {  	_ =	shalt  }
0x5f: {  	_ =	shalt  }
0x60: {  	_ =	shalt  }
0x61: {  	_ =	shalt  }
0x62: {  	_ =	shalt  }
0x63: {  	_ =	shalt  }
0x64: {  	_ =	shalt  }
0x65: {  	_ =	shalt  }
0x66: {  	_ =	shalt  }
0x67: {  	_ =	shalt  }
0x68: {  	_ =	shalt  }
0x69: {  	_ =	shalt  }
0x6a: {  	_ =	shalt  }
0x6b: {  	_ =	shalt  }
0x6c: {  	_ =	shalt  }
0x6d: {  	_ =	shalt  }
0x6e: {  	_ =	shalt  }
0x6f: {  	_ =	shalt  }
0x70: {  	_ =	shalt  }
0x71: {  	_ =	shalt  }
0x72: {  	_ =	shalt  }
0x73: {  	_ =	shalt  }
0x74: {  	_ =	shalt  }
0x75: {  	_ =	shalt  }
0x76: {  	_ =	shalt  }
0x77: {  	_ =	shalt  }
0x78: {  	_ =	shalt  }
0x79: {  	_ =	shalt  }
0x7a: {  	_ =	shalt  }
0x7b: {  	_ =	shalt  }
0x7c: {  	_ =	shalt  }
0x7d: {  	_ =	shalt  }
0x7e: {  	_ =	shalt  }
0x7f: {  	_ =	shalt  }
0x80: {  	_ =	shalt  }
0x81: {  	_ =	shalt  }
0x82: {  	_ =	shalt  }
0x83: {  	_ =	shalt  }
0x84: {  	_ =	shalt  }
0x85: {  	_ =	shalt  }
0x86: {  	_ =	shalt  }
0x87: {  	_ =	shalt  }
.Lfunc_end0:
.L_simem_size_0:
called_computation_lowered:
.L_overlay_start_0:
0x88: {  	s0 =	sld [smem:$0x3FD9]  }
0x89: {  	s1 =	sld [smem:$0x3FFE];
	_ =	sdelay $0x3  }
0x8a: {  	s0 =	sadd.s32 s1, s0  }
0x8b: {  	[smem:$0x3FC1] =	sst s0  }
0x8c: {  	_ = 	snop  }
0x8d: {  	s0 =	sld [smem:$0x3FD0];
	(tm) =	ssettm $0x1  }
0x8e: {  	s16 =	sld [smem:$0x3FFB];
	_ =	sdelay $0x3  }
0x8f: {  	_ =	strace s16  }
0x90: {  	s1 =	sld [smem:$0x3FFC];
	_ =	sdelay $0x3  }
0x91: {  	_ =	strace s1  }
0x92: {  	s1 =	sld [smem:$0x3FFD];
	_ =	sdelay $0x3  }
0x93: {  	_ =	strace s1  }
0x94: {  	_ =	strace $0x8FFFFFFF  }
0x95: {  	s17 =	sld [smem:$0x3FDB];
	_ =	sdelay $0x1  }
0x96: {  	s2 =	simm.s32 $_scs_section_size  }
0x97: {  	s3 =	simm.s32 $_size__tile_overlayer_lowered;
	s4 =	simm.s32 $_tile_overlayer_lowered  }
0x98: {  	s20 =	simm.s32 $0x1BFF;
	s19 =	sshll.u32 s4, $0x1;
	s1 =	sadd.s32 s2, s17  }
0x99: {  	s5 =	simm.s32 $0x0;
	s18 =	sshll.u32 s3, $0x1;
	s3 =	sadd.s32 s19, s1  }
0x9a: {  	[timem:s5], [sflag:s20] =	dma.local [hbm:s3], s18  }
0x9b: {  	_ =	swait.ge [sflag:s20], s18  }
0x9c: {  	s2 =	ssub.s32 $0x0, s18;
	[sflag:s20] =	ssyncset.done $0x0  }
0x9d: {  	[sflag:s20] =	ssyncadd.s32 s2;
	_ =	sdelay $0x1  }
0x9e: {  	s21 =	simm.s32 $0x1B8B  }
0x9f: {  	_ =	swait.ge [sflag:s21], $0x1  }
0xa0: {  	[sflag:s21] =	ssyncset.done $0x0  }
0xa1: {  	s23 =	simm.s32 $0x1B8E;
	s22 =	sld [smem:$0x3FFE];
	[sflag:s21] =	ssyncadd.s32 $0xFFFFFFFF  }
0xa2: {  	s24 =	simm.s32 $execute0_lowered;
	[smem:$0x3FD2] =	sst s23  }
0xa3: {  	s3 =	sshll.u32 s24, $0x1;
	_ =	strace $0x80000046;
	[dreg:$0x1] =	wrdreg $0xFFFFFFFF  }
0xa4: {  	s25 =	simm.s32 $_size_execute0_lowered;
	s1 =	sadd.s32 s1, s3;
	[dreg:$0x0] =	wrdreg $0x0  }
0xa5: {  	s3 =	sshll.u32 s25, $0x1;
	[dreg:$0x2] =	wrdreg s1  }
0xa6: {  	[dreg:$0x3] =	wrdreg s3  }
0xa7: {  	[dreg:$0x4] =	wrdreg $0xC0  }
0xa8: {  	_ =	task [dreg:s5], $0x5FFFF  }
0xa9: {  	[dreg:$0x1] =	wrdreg $0xFFFFFFFF  }
0xaa: {  	[dreg:$0x0] =	wrdreg $0x60  }
0xab: {  	[dreg:$0x2] =	wrdreg s22  }
0xac: {  	[dreg:$0x3] =	wrdreg s0  }
0xad: {  	[dreg:$0x4] =	wrdreg $0x28000  }
0xae: {  	[dreg:$0x5] =	wrdreg $0x0  }
0xaf: {  	[dreg:$0x6] =	wrdreg $0x9  }
0xb0: {  	_ =	task.clear_ibuf [dreg:s5], $0x7FFFF;
	_ =	strace $0x90000046  }
0xb1: {  	s26 =	simm.s32 $0x9;
	_ =	strace $0x80000048  }
0xb2: {  	_ =	swait.ge [sflag:s26], $0x1  }
0xb3: {  	[sflag:s26] =	ssyncadd.s32 $0xFFFFFFFF  }
0xb4: {  	_ =	strace $0x90000048  }
0xb5: {  	_ =	sfence  }
0xb6: {  	s28 =	sld [smem:$0x0];
	_ =	sdelay $0x1  }
0xb7: {  	s29 =	srdreg.scid  }
0xb8: {  	s30 =	sshll.u32 s29, $0xD;
	s31 =	sshrl.u32 s29, $0x2  }
0xb9: {  	s2 =	sand.u32 $0x4000, s30;
	s1 =	sand.u32 $0x1, s29;
	s0 =	sadd.s32 s31, s28  }
0xba: {  	s1 =	sor.u32 s2, s1;
	s0 =	sshll.u32 s0, $0x11  }
0xbb: {  	s0 =	sor.u32 s0, s1  }
0xbc: {  	s0 =	sadd.s32 $0x8F2B, s0  }
0xbd: {  	[sflag:s0] =	ssyncadd.remote.s32 $0x1  }
0xbe: {  	_ =	sfence.sel $0xFFFF  }
0xbf: {  	[dreg:$0x0] =	wrdreg $0xFFFFFFFF;
	(pc) =	sbr.abs _section_cstart, $3  }
0xc0: {  	[dreg:$0x1] =	wrdreg $0xFFFFFFFF  }
0xc1: {  	_ =	task.clear_ibuf [dreg:s5], $0x2FFFF;
	_ =	strace $0x9FFFFFFF  }
0xc2: {  	(tm) =	ssettm $0x7FFFFFFF  }
0xc3: {  	_ =	shalt  }
tec
execute0_lowered:
.L_overlay_start_1:
0x0: {  	(tag) =	ssettag $0x1  }
0x1: {  	s4 =	rddreg [dreg:$0x0]  }
0x2: {  	s2 =	rddreg [dreg:$0x1]  }
0x3: {  	s0 =	rddreg [dreg:$0x2]  }
0x4: {  	s1 =	rddreg [dreg:$0x3];
	s5 =	simm.s32 $0x0  }
0x5: {  	s6 =	simm.s32 $0x14A80;
	[smem:$0x7FF] =	sst s5  }
0x6: {  	s15 =	simm.s32 $0x9;
	s3 =	sadd.s32 $0x5A00, s4;
	_ =	strace $0x80000047  }
0x7: {  	[tilespmem:s6], [sflag:$0x9] =	stream.linear.gather [hbm4b:s3+s5], $0x100, $0x38;
	[tilespmem:$0x1FB80] =	vst v63  }
0x8: {  	_ =	swait.ge [sflag:s15], $0x100  }
0x9: {  	[sflag:s15] =	ssyncset.done $0x0  }
0xa: {  	s7 =	sadd.s32 $0x19E00, s4;
	s3 =	simm.s32 $0x14B80;
	[sflag:s15] =	ssyncadd.s32 $0xFFFFFF00  }
0xb: {  	[tilespmem:s3], [sflag:$0x9] =	stream.linear.gather [hbm4b:s7+s5], $0x100, $0x38;
	[tilespmem:$0x1FB80] =	vst v63  }
0xc: {  	_ =	swait.ge [sflag:s15], $0x100  }
0xd: {  	[sflag:s15] =	ssyncset.done $0x0  }
0xe: {  	s8 =	simm.s32 $0x14C80;
	s16 =	sadd.s32 $0x19C00, s4;
	[sflag:s15] =	ssyncadd.s32 $0xFFFFFF00  }
0xf: {  	[tilespmem:s8], [sflag:$0x9] =	stream.linear.gather [hbm4b:s16+s5], $0x280, $0x38;
	[tilespmem:$0x1FB80] =	vst v63  }
0x10: {  	_ =	swait.ge [sflag:s15], $0x280  }
0x11: {  	s13 =	stileid.u32;
	[sflag:s15] =	ssyncset.done $0x0  }
0x12: {  	s9 =	simm.s32 $0x14F00;
	s17 =	smul.u32 $0xA00, s13;
	[sflag:s15] =	ssyncadd.s32 $0xFFFFFD80  }
0x13: {  	[tilespmem:s9], [sflag:$0x9] =	stream.linear.gather [hbm4b:s2+s5], $0xA00, $0x38;
	[tilespmem:$0x1FB80] =	vst v63  }
0x14: {  	_ =	swait.ge [sflag:s15], $0xA00  }
0x15: {  	s18 =	sadd.s32 s17, s4;
	[sflag:s15] =	ssyncset.done $0x0  }
0x16: {  	s10 =	simm.s32 $0x2A80;
	s19 =	sadd.s32 $0x5C00, s18;
	[sflag:s15] =	ssyncadd.s32 $0xFFFFF600  }
0x17: {  	[tilespmem:s10], [sflag:$0x9] =	stream.linear.gather [hbm4b:s19+s5], $0x5000, $0x38;
	[tilespmem:$0x1FB80] =	vst v63  }
0x18: {  	_ =	swait.ge [sflag:s15], $0x5000  }
0x19: {  	[sflag:s15] =	ssyncset.done $0x0  }
0x1a: {  	s20 =	simm.s32 $0x7A80;
	s2 =	sadd.s32 $0xFC00, s18;
	[sflag:s15] =	ssyncadd.s32 $0xFFFFB000  }
0x1b: {  	[tilespmem:s20], [sflag:$0x9] =	stream.linear.gather [hbm4b:s2+s5], $0x5000, $0x38;
	[tilespmem:$0x1FB80] =	vst v63  }
0x1c: {  	_ =	swait.ge [sflag:s15], $0x5000  }
0x1d: {  	s21 =	sshrl.u32 s17, $0x2;
	[sflag:s15] =	ssyncset.done $0x0  }
0x1e: {  	s5 =	sadd.s32 s21, s0;
	[sflag:s15] =	ssyncadd.s32 $0xFFFFB000  }
0x1f: {  	[spmem:s5] =	stream.linear.scatter [tilespmem:s8], [sflag:$0x9], $0x280, $0x38;
	[tilespmem:$0x1FB80] =	vst v63  }
0x20: {  	_ =	swait.ge [sflag:s15], $0x280  }
0x21: {  	[sflag:s15] =	ssyncset.done $0x0  }
0x22: {  	[sflag:s15] =	ssyncadd.s32 $0xFFFFFD80  }
0x23: {  	s22 =	simm.s32 $0x7A80;
	s7 =	simm.s32 $0x100;
	[bflag:$0x0] =	sbarrier.arrive $0xFFFF  }
0x24: {  	[spmem:s0] =	stream.indirect.scatter.add.f32 [tilespmem:s3], [sflag:$0x1], $0x1, s22, s7, $0xb8;
	[tilespmem:$0x1FB80] =	vst v63  }
0x25: {  	s23 =	simm.s32 $0x7B80  }
0x26: {  	[spmem:s0] =	stream.indirect.scatter.add.f32 [tilespmem:s3], [sflag:$0x1], $0x1, s23, s7, $0xb8;
	[tilespmem:$0x1FB80] =	vst v63  }
0x27: {  	s24 =	simm.s32 $0x7C80  }
0x28: {  	[spmem:s0] =	stream.indirect.scatter.add.f32 [tilespmem:s3], [sflag:$0x1], $0x1, s24, s7, $0xb8;
	[tilespmem:$0x1FB80] =	vst v63  }
0x29: {  	s25 =	simm.s32 $0x7D80  }
0x2a: {  	[spmem:s0] =	stream.indirect.scatter.add.f32 [tilespmem:s3], [sflag:$0x1], $0x1, s25, s7, $0xb8;
	[tilespmem:$0x1FB80] =	vst v63  }
0x2b: {  	s26 =	simm.s32 $0x7E80  }
0x2c: {  	[spmem:s0] =	stream.indirect.scatter.add.f32 [tilespmem:s3], [sflag:$0x1], $0x1, s26, s7, $0xb8;
	[tilespmem:$0x1FB80] =	vst v63  }
0x2d: {  	s28 =	simm.s32 $0x7F80  }
0x2e: {  	[spmem:s0] =	stream.indirect.scatter.add.f32 [tilespmem:s3], [sflag:$0x1], $0x1, s28, s7, $0xb8;
	[tilespmem:$0x1FB80] =	vst v63  }
0x2f: {  	s29 =	simm.s32 $0x8080  }
0x30: {  	[spmem:s0] =	stream.indirect.scatter.add.f32 [tilespmem:s3], [sflag:$0x1], $0x1, s29, s7, $0xb8;
	[tilespmem:$0x1FB80] =	vst v63  }
0x31: {  	s30 =	simm.s32 $0x8180;
	s6 =	simm.s32 $0x1  }
0x32: {  	[spmem:s0] =	stream.indirect.scatter.add.f32 [tilespmem:s3], [sflag:$0x1], $0x1, s30, s7, $0xb8;
	[tilespmem:$0x1FB80] =	vst v63  }
0x33: {  	_ =	swait.ge [sflag:s6], $0x100  }
0x34: {  	[sflag:s6] =	ssyncset.done $0x0  }
0x35: {  	[sflag:s6] =	ssyncadd.s32 $0xFFFFFF00  }
0x36: {  	_ =	swait.ge [sflag:s6], $0x100  }
0x37: {  	[sflag:s6] =	ssyncset.done $0x0  }
0x38: {  	[sflag:s6] =	ssyncadd.s32 $0xFFFFFF00  }
0x39: {  	_ =	swait.ge [sflag:s6], $0x100  }
0x3a: {  	[sflag:s6] =	ssyncset.done $0x0  }
0x3b: {  	[sflag:s6] =	ssyncadd.s32 $0xFFFFFF00  }
0x3c: {  	_ =	swait.ge [sflag:s6], $0x100  }
0x3d: {  	[sflag:s6] =	ssyncset.done $0x0  }
0x3e: {  	[sflag:s6] =	ssyncadd.s32 $0xFFFFFF00  }
0x3f: {  	_ =	swait.ge [sflag:s6], $0x100  }
0x40: {  	[sflag:s6] =	ssyncset.done $0x0  }
0x41: {  	[sflag:s6] =	ssyncadd.s32 $0xFFFFFF00  }
0x42: {  	_ =	swait.ge [sflag:s6], $0x100  }
0x43: {  	[sflag:s6] =	ssyncset.done $0x0  }
0x44: {  	[sflag:s6] =	ssyncadd.s32 $0xFFFFFF00  }
0x45: {  	_ =	swait.ge [sflag:s6], $0x100  }
0x46: {  	s31 =	sadd.s32 $0x1F000, s4;
	[sflag:s6] =	ssyncset.done $0x0  }
0x47: {  	[dreg:$0x5] =	wrdreg s31;
	[sflag:s6] =	ssyncadd.s32 $0xFFFFFF00  }
0x48: {  	s11 =	simm.s32 $0x4000;
	s10 =	simm.s32 $0x800;
	_ =	swait.ge [sflag:s6], $0x100  }
0x49: {  	s2 =	sadd.s32 $0xA00, s4;
	s4 =	sadd.s32 $0x1A000, s4;
	[sflag:s6] =	ssyncset.done $0x0  }
.LBB2_1:
0x4a: {  	s12 =	sadd.s32 $0x7A80, s10  }
0x4b: {  	[sflag:s6] =	ssyncadd.s32 $0xFFFFFF00;
	s9 =	smov.u32 s11;
	s8 =	sadd.s32 $0x2000, s11  }
0x4c: {  	[spmem:s0] =	stream.indirect.scatter.add.f32 [tilespmem:s3], [sflag:$0x1], $0x1, s12, s7, $0xb8;
	[tilespmem:$0x1FB80] =	vst v63  }
0x4d: {  	p0 =	sne.s32 s11, $0x12000;
	s11 =	sadd.s32 $0x7B80, s10  }
0x4e: {  	[spmem:s0] =	stream.indirect.scatter.add.f32 [tilespmem:s3], [sflag:$0x1], $0x1, s11, s7, $0xb8;
	[tilespmem:$0x1FB80] =	vst v63  }
0x4f: {  	s11 =	sadd.s32 $0x7C80, s10  }
0x50: {  	[spmem:s0] =	stream.indirect.scatter.add.f32 [tilespmem:s3], [sflag:$0x1], $0x1, s11, s7, $0xb8;
	[tilespmem:$0x1FB80] =	vst v63  }
0x51: {  	s11 =	sadd.s32 $0x7D80, s10  }
0x52: {  	[spmem:s0] =	stream.indirect.scatter.add.f32 [tilespmem:s3], [sflag:$0x1], $0x1, s11, s7, $0xb8;
	[tilespmem:$0x1FB80] =	vst v63  }
0x53: {  	s11 =	sadd.s32 $0x7E80, s10  }
0x54: {  	[spmem:s0] =	stream.indirect.scatter.add.f32 [tilespmem:s3], [sflag:$0x1], $0x1, s11, s7, $0xb8;
	[tilespmem:$0x1FB80] =	vst v63  }
0x55: {  	s11 =	sadd.s32 $0x7F80, s10  }
0x56: {  	[spmem:s0] =	stream.indirect.scatter.add.f32 [tilespmem:s3], [sflag:$0x1], $0x1, s11, s7, $0xb8;
	[tilespmem:$0x1FB80] =	vst v63  }
0x57: {  	s11 =	sadd.s32 $0x8080, s10  }
0x58: {  	[spmem:s0] =	stream.indirect.scatter.add.f32 [tilespmem:s3], [sflag:$0x1], $0x1, s11, s7, $0xb8;
	[tilespmem:$0x1FB80] =	vst v63  }
0x59: {  	s10 =	sadd.s32 $0x8180, s10  }
0x5a: {  	[spmem:s0] =	stream.indirect.scatter.add.f32 [tilespmem:s3], [sflag:$0x1], $0x1, s10, s7, $0xb8;
	[tilespmem:$0x1FB80] =	vst v63  }
0x5b: {  	_ =	swait.ge [sflag:s6], $0x100  }
0x5c: {  	[sflag:s6] =	ssyncset.done $0x0  }
0x5d: {  	[sflag:s6] =	ssyncadd.s32 $0xFFFFFF00  }
0x5e: {  	_ =	swait.ge [sflag:s6], $0x100  }
0x5f: {  	[sflag:s6] =	ssyncset.done $0x0  }
0x60: {  	[sflag:s6] =	ssyncadd.s32 $0xFFFFFF00  }
0x61: {  	_ =	swait.ge [sflag:s6], $0x100  }
0x62: {  	[sflag:s6] =	ssyncset.done $0x0  }
0x63: {  	[sflag:s6] =	ssyncadd.s32 $0xFFFFFF00  }
0x64: {  	_ =	swait.ge [sflag:s6], $0x100  }
0x65: {  	[sflag:s6] =	ssyncset.done $0x0  }
0x66: {  	[sflag:s6] =	ssyncadd.s32 $0xFFFFFF00  }
0x67: {  	_ =	swait.ge [sflag:s6], $0x100  }
0x68: {  	[sflag:s6] =	ssyncset.done $0x0  }
0x69: {  	[sflag:s6] =	ssyncadd.s32 $0xFFFFFF00  }
0x6a: {  	_ =	swait.ge [sflag:s6], $0x100  }
0x6b: {  	[sflag:s6] =	ssyncset.done $0x0  }
0x6c: {  	[sflag:s6] =	ssyncadd.s32 $0xFFFFFF00  }
.Ltmp0:
0x6d: {  	_ =	swait.ge [sflag:s6], $0x100;
	(pc) =	sbr.rel @p0 .LBB2_1-.Ltmp0, $4  }
0x6e: {  	[sflag:s6] =	ssyncset.done $0x0  }
0x6f: {  	[sflag:s6] =	ssyncadd.s32 $0xFFFFFF00  }
0x70: {  	_ =	swait.ge [sflag:s6], $0x100  }
0x71: {  	s11 =	smov.u32 s8;
	s10 =	sshra.s32 s9, $0x2;
	[sflag:s6] =	ssyncset.done $0x0  }
0x72: {  	s8 =	sadd.s32 $0x7A80, s10;
	[sflag:s6] =	ssyncadd.s32 $0xFFFFFF00  }
0x73: {  	[spmem:s0] =	stream.indirect.scatter.add.f32 [tilespmem:s3], [sflag:$0x1], $0x1, s8, s7, $0xb8;
	[tilespmem:$0x1FB80] =	vst v63  }
0x74: {  	s22 =	sadd.s32 $0x7B80, s10  }
0x75: {  	[spmem:s0] =	stream.indirect.scatter.add.f32 [tilespmem:s3], [sflag:$0x1], $0x1, s22, s7, $0xb8;
	[tilespmem:$0x1FB80] =	vst v63  }
0x76: {  	s23 =	sadd.s32 $0x7C80, s10  }
0x77: {  	[spmem:s0] =	stream.indirect.scatter.add.f32 [tilespmem:s3], [sflag:$0x1], $0x1, s23, s7, $0xb8;
	[tilespmem:$0x1FB80] =	vst v63  }
0x78: {  	s24 =	sadd.s32 $0x7D80, s10  }
0x79: {  	[spmem:s0] =	stream.indirect.scatter.add.f32 [tilespmem:s3], [sflag:$0x1], $0x1, s24, s7, $0xb8;
	[tilespmem:$0x1FB80] =	vst v63  }
0x7a: {  	s25 =	sadd.s32 $0x7E80, s10  }
0x7b: {  	[spmem:s0] =	stream.indirect.scatter.add.f32 [tilespmem:s3], [sflag:$0x1], $0x1, s25, s7, $0xb8;
	[tilespmem:$0x1FB80] =	vst v63  }
0x7c: {  	s26 =	sadd.s32 $0x7F80, s10  }
0x7d: {  	[spmem:s0] =	stream.indirect.scatter.add.f32 [tilespmem:s3], [sflag:$0x1], $0x1, s26, s7, $0xb8;
	[tilespmem:$0x1FB80] =	vst v63  }
0x7e: {  	s28 =	sadd.s32 $0x8080, s10  }
0x7f: {  	[spmem:s0] =	stream.indirect.scatter.add.f32 [tilespmem:s3], [sflag:$0x1], $0x1, s28, s7, $0xb8;
	[tilespmem:$0x1FB80] =	vst v63  }
0x80: {  	s29 =	sadd.s32 $0x8180, s10  }
0x81: {  	[spmem:s0] =	stream.indirect.scatter.add.f32 [tilespmem:s3], [sflag:$0x1], $0x1, s29, s7, $0xb8;
	[tilespmem:$0x1FB80] =	vst v63  }
0x82: {  	_ =	swait.ge [sflag:s6], $0x100  }
0x83: {  	[sflag:s6] =	ssyncset.done $0x0  }
0x84: {  	[sflag:s6] =	ssyncadd.s32 $0xFFFFFF00  }
0x85: {  	_ =	swait.ge [sflag:s6], $0x100  }
0x86: {  	[sflag:s6] =	ssyncset.done $0x0  }
0x87: {  	[sflag:s6] =	ssyncadd.s32 $0xFFFFFF00  }
0x88: {  	_ =	swait.ge [sflag:s6], $0x100  }
0x89: {  	[sflag:s6] =	ssyncset.done $0x0  }
0x8a: {  	[sflag:s6] =	ssyncadd.s32 $0xFFFFFF00  }
0x8b: {  	_ =	swait.ge [sflag:s6], $0x100  }
0x8c: {  	[sflag:s6] =	ssyncset.done $0x0  }
0x8d: {  	[sflag:s6] =	ssyncadd.s32 $0xFFFFFF00  }
0x8e: {  	_ =	swait.ge [sflag:s6], $0x100  }
0x8f: {  	[sflag:s6] =	ssyncset.done $0x0  }
0x90: {  	[sflag:s6] =	ssyncadd.s32 $0xFFFFFF00  }
0x91: {  	_ =	swait.ge [sflag:s6], $0x100  }
0x92: {  	[sflag:s6] =	ssyncset.done $0x0  }
0x93: {  	[sflag:s6] =	ssyncadd.s32 $0xFFFFFF00  }
0x94: {  	_ =	swait.ge [sflag:s6], $0x100  }
0x95: {  	[sflag:s6] =	ssyncset.done $0x0  }
0x96: {  	[sflag:s6] =	ssyncadd.s32 $0xFFFFFF00  }
0x97: {  	_ =	swait.ge [sflag:s6], $0x100  }
0x98: {  	[sflag:s6] =	ssyncset.done $0x0  }
0x99: {  	[sflag:s6] =	ssyncadd.s32 $0xFFFFFF00  }
0x9a: {  	s30 =	simm.s32 $0x15900;
	s31 =	simm.s32 $0x9;
	[bflag:$0x0] =	sbarrier.arrive $0xFFFF  }
0x9b: {  	[tilespmem:s30], [sflag:$0x9] =	stream.linear.gather [spmem:s5], $0x280, $0x38;
	[tilespmem:$0x1FB80] =	vst v63  }
0x9c: {  	_ =	swait.ge [sflag:s31], $0x280  }
0x9d: {  	[sflag:s31] =	ssyncset.done $0x0  }
0x9e: {  	s3 =	simm.s32 $0x0;
	s0 =	simm.s32 $0x40;
	[sflag:s31] =	ssyncadd.s32 $0xFFFFFD80  }
.LBB2_3:
0x9f: {  	p0 =	sne.s32 s0, $0x9C0;
	v0 =	vld [tilespmem:s3+$0x15900];
	_ =	sdelay $0x4  }
0xa0: {  	v0 =	vadd.f32 $1.000000000e+00, v0;
	_ =	sdelay $0x1  }
0xa1: {  	v1 =	vshra.s32 v0, $0x1;
	v0 =	vmul.f32 $5.000000000e-01, v0  }
0xa2: {  	v1 =	vsub.s32 $0x5F3759DF, v1  }
0xa3: {  	v2 =	vmul.f32 v1, v0;
	_ =	sdelay $0x1  }
0xa4: {  	v2 =	vmul.f32 v1, v2;
	_ =	sdelay $0x1  }
0xa5: {  	v2 =	vsub.f32 $1.500000000e+00, v2;
	_ =	sdelay $0x1  }
0xa6: {  	v1 =	vmul.f32 v1, v2;
	_ =	sdelay $0x1  }
0xa7: {  	v2 =	vmul.f32 v1, v0;
	_ =	sdelay $0x1  }
0xa8: {  	v2 =	vmul.f32 v2, v1;
	_ =	sdelay $0x1  }
0xa9: {  	v2 =	vsub.f32 $1.500000000e+00, v2;
	_ =	sdelay $0x1  }
0xaa: {  	v1 =	vmul.f32 v2, v1;
	_ =	sdelay $0x1  }
0xab: {  	v0 =	vmul.f32 v1, v0;
	_ =	sdelay $0x1  }
0xac: {  	v0 =	vmul.f32 v0, v1;
	_ =	sdelay $0x1  }
.Ltmp1:
0xad: {  	v0 =	vsub.f32 $1.500000000e+00, v0;
	(pc) =	sbr.rel @p0 .LBB2_3-.Ltmp1, $3  }
0xae: {  	_ = 	snop  }
0xaf: {  	v0 =	vmul.f32 v0, v1;
	_ =	sdelay $0x1  }
0xb0: {  	[tilespmem:s3+$0x15900] =	vst v0;
	s3 =	sshra.s32 s0, $0x2;
	s0 =	sadd.s32 $0x40, s0  }
0xb1: {  	v0 =	vld [tilespmem:s3+$0x15900];
	_ =	sdelay $0x4  }
0xb2: {  	v0 =	vadd.f32 $1.000000000e+00, v0;
	_ =	sdelay $0x1  }
0xb3: {  	v1 =	vshra.s32 v0, $0x1;
	v0 =	vmul.f32 $5.000000000e-01, v0  }
0xb4: {  	v1 =	vsub.s32 $0x5F3759DF, v1  }
0xb5: {  	v2 =	vmul.f32 v1, v0;
	_ =	sdelay $0x1  }
0xb6: {  	v2 =	vmul.f32 v1, v2;
	_ =	sdelay $0x1  }
0xb7: {  	v2 =	vsub.f32 $1.500000000e+00, v2;
	_ =	sdelay $0x1  }
0xb8: {  	v1 =	vmul.f32 v1, v2;
	_ =	sdelay $0x1  }
0xb9: {  	v2 =	vmul.f32 v1, v0;
	_ =	sdelay $0x1  }
0xba: {  	v2 =	vmul.f32 v2, v1;
	_ =	sdelay $0x1  }
0xbb: {  	v2 =	vsub.f32 $1.500000000e+00, v2;
	_ =	sdelay $0x1  }
0xbc: {  	v1 =	vmul.f32 v2, v1;
	_ =	sdelay $0x1  }
0xbd: {  	v0 =	vmul.f32 v1, v0;
	_ =	sdelay $0x1  }
0xbe: {  	v0 =	vmul.f32 v0, v1;
	_ =	sdelay $0x1  }
0xbf: {  	v0 =	vsub.f32 $1.500000000e+00, v0  }
0xc0: {  	s5 =	simm.s32 $0x0  }
0xc1: {  	s0 =	smul.u32 $0x2800, s13;
	v0 =	vmul.f32 v0, v1;
	v1 =	vmov s5  }
0xc2: {  	v1 =	vand.u32 $0xFFFFFFFC, v1  }
0xc3: {  	s25 =	simm.s32 $0x0;
	s14 =	sshrl.u32 s0, $0x3;
	[tilespmem:s3+$0x15900] =	vst v0;
	v0 =	vbroadcast v1, $0x0  }
0xc4: {  	s26 =	simm.s32 $0x18380;
	s28 =	simm.s32 $0x9;
	s2 =	sadd.s32 s2, s14  }
0xc5: {  	[tilespmem:s26], [sflag:$0x9] =	stream.linear.gather [hbm4b:s2+s25], $0x2800, $0x38;
	[tilespmem:$0x1FB80] =	vst v63  }
0xc6: {  	_ =	swait.ge [sflag:s28], $0x2800  }
0xc7: {  	[sflag:s28] =	ssyncset.done $0x0  }
0xc8: {  	s2 =	simm.s32 $0x15900;
	[sflag:s28] =	ssyncadd.s32 $0xFFFFD800  }
0xc9: {  	v1 =	vld.idx.msk [tilespmem:v0+s2+$0x0], $0xffff;
	_ =	sdelay $0x3  }
0xca: {  	s3 =	simm.s32 $0x15BA0  }
0xcb: {  	s5 =	simm.s32 $0x183A0;
	v0 =	vld [tilespmem:$0x14A80];
	[tilespmem:s3+$0xFFFFFFE0] =	vst v1  }
0xcc: {  	s6 =	simm.s32 $0x1;
	v2 =	vld [tilespmem:s5+$0xFFFFFFE0]  }
0xcd: {  	v3 =	vmov s6  }
0xce: {  	v3 =	vand.u32 $0xFFFFFFFD, v3  }
0xcf: {  	v3 =	vbroadcast v3, $0x0;
	_ =	sdelay $0x1  }
0xd0: {  	v1 =	vmul.f32 v2, v1  }
0xd1: {  	s29 =	simm.s32 $0x1ABA0;
	v2 =	vmul.f32 v2, v0  }
0xd2: {  	s9 =	simm.s32 $0x1D3A0;
	[tilespmem:s29+$0xFFFFFFE0] =	vst v1  }
0xd3: {  	[tilespmem:s9+$0xFFFFFFE0] =	vst v2  }
0xd4: {  	v1 =	vld.idx.msk [tilespmem:v3+s2+$0x0], $0xffff;
	_ =	sdelay $0x4  }
0xd5: {  	[tilespmem:s3+$0xFFFFFFF0] =	vst v1  }
0xd6: {  	s7 =	simm.s32 $0x2;
	v2 =	vld [tilespmem:s5+$0xFFFFFFF0]  }
0xd7: {  	v3 =	vmov s7  }
0xd8: {  	v3 =	vand.u32 $0xFFFFFFFE, v3  }
0xd9: {  	v3 =	vbroadcast v3, $0x0;
	_ =	sdelay $0x1  }
0xda: {  	v1 =	vmul.f32 v2, v1  }
0xdb: {  	v2 =	vmul.f32 v2, v0  }
0xdc: {  	[tilespmem:s29+$0xFFFFFFF0] =	vst v1  }
0xdd: {  	[tilespmem:s9+$0xFFFFFFF0] =	vst v2  }
0xde: {  	v1 =	vld.idx.msk [tilespmem:v3+s2+$0x0], $0xffff;
	_ =	sdelay $0x4  }
0xdf: {  	[tilespmem:s3+$0x0] =	vst v1  }
0xe0: {  	v2 =	vld [tilespmem:s5+$0x0];
	_ =	sdelay $0x2  }
0xe1: {  	s30 =	simm.s32 $0x3  }
0xe2: {  	v3 =	vmov s30  }
0xe3: {  	v1 =	vmul.f32 v2, v1  }
0xe4: {  	v2 =	vmul.f32 v2, v0  }
0xe5: {  	[tilespmem:s29+$0x0] =	vst v1  }
0xe6: {  	[tilespmem:s9+$0x0] =	vst v2  }
0xe7: {  	v1 =	vld.idx.msk [tilespmem:v3+s2+$0x0], $0xffff;
	_ =	sdelay $0x4  }
0xe8: {  	[tilespmem:s3+$0x10] =	vst v1  }
0xe9: {  	v2 =	vld [tilespmem:s5+$0x10];
	_ =	sdelay $0x2  }
0xea: {  	s31 =	simm.s32 $0x4  }
0xeb: {  	v3 =	vmov s31  }
0xec: {  	v4 =	vmul.f32 v2, v1;
	v1 =	vand.u32 $0xFFFFFFFC, v3  }
0xed: {  	v1 =	vbroadcast v1, $0x0;
	_ =	sdelay $0x1  }
0xee: {  	s8 =	simm.s32 $0x7  }
0xef: {  	s12 =	simm.s32 $0xB;
	s6 =	simm.s32 $0x1ABE0;
	s7 =	simm.s32 $0x1D3E0;
	v2 =	vmul.f32 v2, v0;
	[tilespmem:s29+$0x10] =	vst v4  }
.LBB2_5:
0xf0: {  	s3 =	sadd.s32 $0x40, s3;
	s5 =	sadd.s32 $0x40, s5  }
0xf1: {  	[tilespmem:s9+$0x10] =	vst v2;
	s11 =	smov.u32 s12;
	s10 =	sadd.s32 $0x4, s12;
	s9 =	smov.u32 s7  }
0xf2: {  	p0 =	sne.s32 s12, $0x27F;
	v1 =	vld.idx.msk [tilespmem:v1+s2+$0x0], $0xffff;
	_ =	sdelay $0x5  }
0xf3: {  	[tilespmem:s3+$0xFFFFFFE0] =	vst v1  }
0xf4: {  	s12 =	sadd.s32 $0xFFFFFFFE, s8;
	v2 =	vld [tilespmem:s5+$0xFFFFFFE0]  }
0xf5: {  	v3 =	vmov s12  }
0xf6: {  	v3 =	vand.u32 $0xFFFFFFFD, v3  }
0xf7: {  	v3 =	vbroadcast v3, $0x0;
	_ =	sdelay $0x1  }
0xf8: {  	v1 =	vmul.f32 v2, v1  }
0xf9: {  	v2 =	vmul.f32 v2, v0  }
0xfa: {  	[tilespmem:s6+$0xFFFFFFE0] =	vst v1  }
0xfb: {  	[tilespmem:s7+$0xFFFFFFE0] =	vst v2  }
0xfc: {  	v1 =	vld.idx.msk [tilespmem:v3+s2+$0x0], $0xffff;
	_ =	sdelay $0x5  }
0xfd: {  	[tilespmem:s3+$0xFFFFFFF0] =	vst v1  }
0xfe: {  	s12 =	sadd.s32 $0xFFFFFFFF, s8;
	v2 =	vld [tilespmem:s5+$0xFFFFFFF0]  }
0xff: {  	v3 =	vmov s12  }
0x100: {  	v3 =	vand.u32 $0xFFFFFFFE, v3  }
0x101: {  	v3 =	vbroadcast v3, $0x0;
	_ =	sdelay $0x1  }
0x102: {  	v1 =	vmul.f32 v2, v1  }
0x103: {  	v2 =	vmul.f32 v2, v0  }
0x104: {  	[tilespmem:s6+$0xFFFFFFF0] =	vst v1  }
0x105: {  	[tilespmem:s7+$0xFFFFFFF0] =	vst v2  }
0x106: {  	v1 =	vld.idx.msk [tilespmem:v3+s2+$0x0], $0xffff;
	_ =	sdelay $0x5  }
0x107: {  	[tilespmem:s3+$0x0] =	vst v1  }
0x108: {  	v2 =	vld [tilespmem:s5+$0x0];
	_ =	sdelay $0x3  }
0x109: {  	v3 =	vmov s8;
	s8 =	smov.u32 s11  }
0x10a: {  	v1 =	vmul.f32 v2, v1  }
0x10b: {  	v2 =	vmul.f32 v2, v0  }
0x10c: {  	[tilespmem:s6+$0x0] =	vst v1  }
0x10d: {  	[tilespmem:s7+$0x0] =	vst v2  }
0x10e: {  	v2 =	vld.idx.msk [tilespmem:v3+s2+$0x0], $0xffff;
	_ =	sdelay $0x5  }
0x10f: {  	[tilespmem:s3+$0x10] =	vst v2  }
0x110: {  	s11 =	sadd.s32 $0xFFFFFFFD, s8;
	v3 =	vld [tilespmem:s5+$0x10]  }
0x111: {  	v1 =	vmov s11  }
0x112: {  	v1 =	vand.u32 $0xFFFFFFFC, v1  }
.Ltmp2:
0x113: {  	v1 =	vbroadcast v1, $0x0;
	(pc) =	sbr.rel @p0 .LBB2_5-.Ltmp2, $4  }
0x114: {  	_ = 	snop  }
0x115: {  	v4 =	vmul.f32 v3, v2  }
0x116: {  	v2 =	vmul.f32 v3, v0  }
0x117: {  	s12 =	smov.u32 s10;
	s7 =	sadd.s32 $0x40, s7;
	[tilespmem:s6+$0x10] =	vst v4;
	s6 =	sadd.s32 $0x40, s6  }
0x118: {  	_ =	sdelay $0x2  }
0x119: {  	[tilespmem:s9+$0x10] =	vst v2  }
0x11a: {  	v1 =	vld.idx.msk [tilespmem:v1+s2+$0x0], $0xffff;
	_ =	sdelay $0x3  }
0x11b: {  	s3 =	sadd.s32 $0x40, s3  }
0x11c: {  	s5 =	sadd.s32 $0x40, s5;
	[tilespmem:s3+$0xFFFFFFE0] =	vst v1  }
0x11d: {  	s23 =	sadd.s32 $0xFFFFFFFE, s8;
	v2 =	vld [tilespmem:s5+$0xFFFFFFE0]  }
0x11e: {  	v3 =	vmov s23  }
0x11f: {  	v3 =	vand.u32 $0xFFFFFFFD, v3  }
0x120: {  	v3 =	vbroadcast v3, $0x0;
	_ =	sdelay $0x1  }
0x121: {  	v1 =	vmul.f32 v2, v1  }
0x122: {  	v2 =	vmul.f32 v2, v0  }
0x123: {  	[tilespmem:s6+$0xFFFFFFE0] =	vst v1  }
0x124: {  	[tilespmem:s7+$0xFFFFFFE0] =	vst v2  }
0x125: {  	v1 =	vld.idx.msk [tilespmem:v3+s2+$0x0], $0xffff;
	_ =	sdelay $0x4  }
0x126: {  	[tilespmem:s3+$0xFFFFFFF0] =	vst v1  }
0x127: {  	s24 =	sadd.s32 $0xFFFFFFFF, s8;
	v2 =	vld [tilespmem:s5+$0xFFFFFFF0]  }
0x128: {  	v61 =	vmov s24  }
0x129: {  	v3 =	vand.u32 $0xFFFFFFFE, v61  }
0x12a: {  	v3 =	vbroadcast v3, $0x0;
	_ =	sdelay $0x1  }
0x12b: {  	v1 =	vmul.f32 v2, v1  }
0x12c: {  	v2 =	vmul.f32 v2, v0  }
0x12d: {  	[tilespmem:s6+$0xFFFFFFF0] =	vst v1  }
0x12e: {  	[tilespmem:s7+$0xFFFFFFF0] =	vst v2  }
0x12f: {  	v1 =	vld.idx.msk [tilespmem:v3+s2+$0x0], $0xffff;
	_ =	sdelay $0x4  }
0x130: {  	[tilespmem:s3+$0x0] =	vst v1  }
0x131: {  	v2 =	vld [tilespmem:s5+$0x0];
	_ =	sdelay $0x3  }
0x132: {  	v62 =	vmov s8  }
0x133: {  	v1 =	vmul.f32 v2, v1  }
0x134: {  	v2 =	vmul.f32 v2, v0  }
0x135: {  	[tilespmem:s6+$0x0] =	vst v1  }
0x136: {  	[tilespmem:s7+$0x0] =	vst v2  }
0x137: {  	v1 =	vld.idx.msk [tilespmem:v62+s2+$0x0], $0xffff;
	_ =	sdelay $0x4  }
0x138: {  	[tilespmem:s3+$0x10] =	vst v1  }
0x139: {  	v2 =	vld [tilespmem:s5+$0x10]  }
0x13a: {  	[dreg:$0x6] =	wrdreg s14;
	s25 =	sadd.s32 s4, s14  }
0x13b: {  	s26 =	smul.u32 $0xA000, s13;
	s28 =	simm.s32 $0x0;
	s30 =	simm.s32 $0x1AB80  }
0x13c: {  	s9 =	simm.s32 $0x9;
	s10 =	sadd.s32 s0, s1;
	s14 =	simm.s32 $0x14F00  }
0x13d: {  	s15 =	simm.s32 $0x1;
	s16 =	simm.s32 $0x100;
	s18 =	simm.s32 $0xCA80  }
0x13e: {  	s20 =	simm.s32 $0xDA80;
	s22 =	simm.s32 $0xEA80;
	s29 =	simm.s32 $0x11A80;
	v1 =	vmul.f32 v2, v1  }
0x13f: {  	s31 =	simm.s32 $0x12A80;
	s8 =	simm.s32 $0x5;
	s17 =	simm.s32 $0x7;
	v63 =	vmul.f32 v2, v0  }
0x140: {  	s19 =	simm.s32 $0x8;
	[dreg:$0x7] =	wrdreg s25;
	s2 =	sshrl.u32 s26, $0x2;
	[tilespmem:s6+$0x10] =	vst v1  }
0x141: {  	s24 =	simm.s32 $0xFA80;
	s23 =	simm.s32 $0x0;
	s2 =	sadd.s32 s2, s1;
	[tilespmem:s7+$0x10] =	vst v63  }
0x142: {  	[hbm4b:s25+s28] =	stream.linear.scatter [tilespmem:s30], [sflag:$0x9], $0x2800, $0x38;
	[tilespmem:$0x1FB80] =	vst v63  }
0x143: {  	s26 =	simm.s32 $0x10A80;
	s11 =	sadd.s32 $0xA00, s2;
	_ =	swait.ge [sflag:s9], $0x2800  }
0x144: {  	s12 =	sadd.s32 $0x1400, s2;
	s13 =	sadd.s32 $0x1E00, s2;
	[sflag:s9] =	ssyncset.done $0x0  }
0x145: {  	s2 =	simm.s32 $0x2;
	s3 =	simm.s32 $0x13A80;
	[sflag:s9] =	ssyncadd.s32 $0xFFFFD800  }
0x146: {  	s5 =	simm.s32 $0x3;
	s7 =	simm.s32 $0x4;
	[bflag:$0x0] =	sbarrier.arrive $0xFFFF  }
.LBB2_7:
0x147: {  	[spmem:s10] =	stream.linear.scatter [tilespmem:s14], [sflag:$0x1], $0xA00, $0x38;
	[tilespmem:$0x1FB80] =	vst v63  }
0x148: {  	_ = 	snop  }
0x149: {  	[spmem:s11] =	stream.linear.scatter [tilespmem:s14], [sflag:$0x1], $0xA00, $0x38;
	[tilespmem:$0x1FB80] =	vst v63  }
0x14a: {  	_ = 	snop  }
0x14b: {  	[spmem:s12] =	stream.linear.scatter [tilespmem:s14], [sflag:$0x1], $0xA00, $0x38;
	[tilespmem:$0x1FB80] =	vst v63  }
0x14c: {  	_ = 	snop  }
0x14d: {  	[spmem:s13] =	stream.linear.scatter [tilespmem:s14], [sflag:$0x1], $0xA00, $0x38;
	[tilespmem:$0x1FB80] =	vst v63  }
0x14e: {  	_ =	swait.ge [sflag:s15], $0xA00  }
0x14f: {  	[sflag:s15] =	ssyncset.done $0x0  }
0x150: {  	[sflag:s15] =	ssyncadd.s32 $0xFFFFF600  }
0x151: {  	_ =	swait.ge [sflag:s15], $0xA00  }
0x152: {  	[sflag:s15] =	ssyncset.done $0x0  }
0x153: {  	[sflag:s15] =	ssyncadd.s32 $0xFFFFF600  }
0x154: {  	_ =	swait.ge [sflag:s15], $0xA00  }
0x155: {  	[sflag:s15] =	ssyncset.done $0x0  }
0x156: {  	[sflag:s15] =	ssyncadd.s32 $0xFFFFF600  }
0x157: {  	_ =	swait.ge [sflag:s15], $0xA00  }
0x158: {  	[sflag:s15] =	ssyncset.done $0x0  }
0x159: {  	[sflag:s15] =	ssyncadd.s32 $0xFFFFF600  }
0x15a: {  	s0 =	simm.s32 $0x2A80;
	[bflag:$0x0] =	sbarrier.arrive $0xFFFF  }
0x15b: {  	[tilespmem:s18], [sflag:$0x1] =	stream.indirect.gather [hbm4b:s4+s16], $0x10, s0, s16, $0xb8;
	[tilespmem:$0x1FB80] =	vst v63  }
0x15c: {  	s28 =	simm.s32 $0x2B80  }
0x15d: {  	[tilespmem:s20], [sflag:$0x1] =	stream.indirect.gather [hbm4b:s4+s16], $0x10, s28, s16, $0xb8;
	[tilespmem:$0x1FB80] =	vst v63  }
0x15e: {  	s30 =	simm.s32 $0x2C80  }
0x15f: {  	[tilespmem:s22], [sflag:$0x2] =	stream.indirect.gather [hbm4b:s4+s16], $0x10, s30, s16, $0xb8;
	[tilespmem:$0x1FB80] =	vst v63  }
0x160: {  	s6 =	simm.s32 $0x2D80  }
0x161: {  	[tilespmem:s24], [sflag:$0x2] =	stream.indirect.gather [hbm4b:s4+s16], $0x10, s6, s16, $0xb8;
	[tilespmem:$0x1FB80] =	vst v63  }
0x162: {  	s21 =	simm.s32 $0x2E80  }
0x163: {  	[tilespmem:s26], [sflag:$0x3] =	stream.indirect.gather [hbm4b:s4+s16], $0x10, s21, s16, $0xb8;
	[tilespmem:$0x1FB80] =	vst v63  }
0x164: {  	s25 =	simm.s32 $0x2F80  }
0x165: {  	[tilespmem:s29], [sflag:$0x3] =	stream.indirect.gather [hbm4b:s4+s16], $0x10, s25, s16, $0xb8;
	[tilespmem:$0x1FB80] =	vst v63  }
0x166: {  	s28 =	simm.s32 $0x3080  }
0x167: {  	[tilespmem:s31], [sflag:$0x4] =	stream.indirect.gather [hbm4b:s4+s16], $0x10, s28, s16, $0xb8;
	[tilespmem:$0x1FB80] =	vst v63  }
0x168: {  	s30 =	simm.s32 $0x3180;
	s25 =	simm.s32 $0x0  }
0x169: {  	[tilespmem:s3], [sflag:$0x4] =	stream.indirect.gather [hbm4b:s4+s16], $0x10, s30, s16, $0xb8;
	[tilespmem:$0x1FB80] =	vst v63  }
.LBB2_8:
0x16a: {  	_ =	swait.ge [sflag:s15], $0x1000  }
0x16b: {  	[sflag:s15] =	ssyncset.done $0x0  }
0x16c: {  	[sflag:s15] =	ssyncadd.s32 $0xFFFFF000  }
0x16d: {  	_ =	swait.ge [sflag:s15], $0x1000  }
0x16e: {  	s28 =	sshra.s32 s25, $0x2;
	[sflag:s15] =	ssyncset.done $0x0  }
0x16f: {  	s30 =	sadd.s32 $0x7A80, s28;
	[sflag:s15] =	ssyncadd.s32 $0xFFFFF000  }
0x170: {  	[spmem:s1] =	stream.indirect.scatter.add.f32 [tilespmem:s18], [sflag:$0x5], $0x10, s30, s16, $0xb8;
	[tilespmem:$0x1FB80] =	vst v63  }
0x171: {  	s21 =	sadd.s32 $0x7B80, s28  }
0x172: {  	[spmem:s1] =	stream.indirect.scatter.add.f32 [tilespmem:s20], [sflag:$0x5], $0x10, s21, s16, $0xb8;
	[tilespmem:$0x1FB80] =	vst v63  }
0x173: {  	_ =	swait.ge [sflag:s2], $0x1000  }
0x174: {  	[sflag:s2] =	ssyncset.done $0x0  }
0x175: {  	[sflag:s2] =	ssyncadd.s32 $0xFFFFF000  }
0x176: {  	_ =	swait.ge [sflag:s2], $0x1000  }
0x177: {  	[sflag:s2] =	ssyncset.done $0x0  }
0x178: {  	s0 =	sadd.s32 $0x7C80, s28;
	[sflag:s2] =	ssyncadd.s32 $0xFFFFF000  }
0x179: {  	[spmem:s1] =	stream.indirect.scatter.add.f32 [tilespmem:s22], [sflag:$0x6], $0x10, s0, s16, $0xb8;
	[tilespmem:$0x1FB80] =	vst v63  }
0x17a: {  	s6 =	sadd.s32 $0x7D80, s28  }
0x17b: {  	[spmem:s1] =	stream.indirect.scatter.add.f32 [tilespmem:s24], [sflag:$0x6], $0x10, s6, s16, $0xb8;
	[tilespmem:$0x1FB80] =	vst v63  }
0x17c: {  	_ =	swait.ge [sflag:s5], $0x1000  }
0x17d: {  	[sflag:s5] =	ssyncset.done $0x0  }
0x17e: {  	[sflag:s5] =	ssyncadd.s32 $0xFFFFF000  }
0x17f: {  	_ =	swait.ge [sflag:s5], $0x1000  }
0x180: {  	[sflag:s5] =	ssyncset.done $0x0  }
0x181: {  	s21 =	sadd.s32 $0x7E80, s28;
	[sflag:s5] =	ssyncadd.s32 $0xFFFFF000  }
0x182: {  	[spmem:s1] =	stream.indirect.scatter.add.f32 [tilespmem:s26], [sflag:$0x7], $0x10, s21, s16, $0xb8;
	[tilespmem:$0x1FB80] =	vst v63  }
0x183: {  	s0 =	sadd.s32 $0x7F80, s28  }
0x184: {  	[spmem:s1] =	stream.indirect.scatter.add.f32 [tilespmem:s29], [sflag:$0x7], $0x10, s0, s16, $0xb8;
	[tilespmem:$0x1FB80] =	vst v63  }
0x185: {  	_ =	swait.ge [sflag:s7], $0x1000  }
0x186: {  	[sflag:s7] =	ssyncset.done $0x0  }
0x187: {  	[sflag:s7] =	ssyncadd.s32 $0xFFFFF000  }
0x188: {  	_ =	swait.ge [sflag:s7], $0x1000  }
0x189: {  	[sflag:s7] =	ssyncset.done $0x0  }
0x18a: {  	s6 =	sadd.s32 $0x8080, s28;
	[sflag:s7] =	ssyncadd.s32 $0xFFFFF000  }
0x18b: {  	[spmem:s1] =	stream.indirect.scatter.add.f32 [tilespmem:s31], [sflag:$0x8], $0x10, s6, s16, $0xb8;
	[tilespmem:$0x1FB80] =	vst v63  }
0x18c: {  	s21 =	sadd.s32 $0x8180, s28  }
0x18d: {  	[spmem:s1] =	stream.indirect.scatter.add.f32 [tilespmem:s3], [sflag:$0x8], $0x10, s21, s16, $0xb8;
	[tilespmem:$0x1FB80] =	vst v63  }
0x18e: {  	_ =	swait.ge [sflag:s8], $0x1000  }
0x18f: {  	[sflag:s8] =	ssyncset.done $0x0  }
0x190: {  	[sflag:s8] =	ssyncadd.s32 $0xFFFFF000  }
0x191: {  	_ =	swait.ge [sflag:s8], $0x1000  }
0x192: {  	p0 =	seq.s32 s25, $0x12000;
	[sflag:s8] =	ssyncset.done $0x0  }
0x193: {  	s30 =	simm.s32 @p0 $0x6;
	[sflag:s8] =	ssyncadd.s32 $0xFFFFF000  }
0x194: {  	_ =	swait.ge @p0 [sflag:s30], $0x1000  }
0x195: {  	[sflag:s30] =	ssyncset.done @p0 $0x0  }
0x196: {  	[sflag:s30] =	ssyncadd.s32 @p0 $0xFFFFF000  }
0x197: {  	_ =	swait.ge @p0 [sflag:s30], $0x1000  }
0x198: {  	[sflag:s30] =	ssyncset.done @p0 $0x0  }
0x199: {  	[sflag:s30] =	ssyncadd.s32 @p0 $0xFFFFF000;
	s30 =	sshra.s32 @!p0 s25, $0x2  }
0x19a: {  	s6 =	simm.s32 @!p0 $0xCA80;
	s21 =	simm.s32 @!p0 $0x100;
	s0 =	sadd.s32 @!p0 $0x3280, s30  }
0x19b: {  	[tilespmem:s6], [sflag:$0x1] =	stream.indirect.gather @!p0 [hbm4b:s4+s21], $0x10, s0, s21, $0xb8;
	[tilespmem:$0x1FB80] =	vst v63  }
0x19c: {  	s0 =	sadd.s32 @!p0 $0x3380, s30;
	s6 =	simm.s32 @!p0 $0xDA80  }
0x19d: {  	[tilespmem:s6], [sflag:$0x1] =	stream.indirect.gather @!p0 [hbm4b:s4+s21], $0x10, s0, s21, $0xb8;
	[tilespmem:$0x1FB80] =	vst v63  }
0x19e: {  	s0 =	simm.s32 @!p0 $0x6  }
0x19f: {  	_ =	swait.ge @!p0 [sflag:s0], $0x1000  }
0x1a0: {  	[sflag:s0] =	ssyncset.done @!p0 $0x0  }
0x1a1: {  	[sflag:s0] =	ssyncadd.s32 @!p0 $0xFFFFF000  }
0x1a2: {  	_ =	swait.ge @!p0 [sflag:s0], $0x1000  }
0x1a3: {  	[sflag:s0] =	ssyncset.done @!p0 $0x0  }
0x1a4: {  	s6 =	simm.s32 @!p0 $0xEA80;
	[sflag:s0] =	ssyncadd.s32 @!p0 $0xFFFFF000;
	s0 =	sadd.s32 @!p0 $0x3480, s30  }
0x1a5: {  	[tilespmem:s6], [sflag:$0x2] =	stream.indirect.gather @!p0 [hbm4b:s4+s21], $0x10, s0, s21, $0xb8;
	[tilespmem:$0x1FB80] =	vst v63  }
0x1a6: {  	s0 =	sadd.s32 @!p0 $0x3580, s30;
	s6 =	simm.s32 @!p0 $0xFA80  }
0x1a7: {  	[tilespmem:s6], [sflag:$0x2] =	stream.indirect.gather @!p0 [hbm4b:s4+s21], $0x10, s0, s21, $0xb8;
	[tilespmem:$0x1FB80] =	vst v63  }
0x1a8: {  	_ =	swait.ge [sflag:s17], $0x1000  }
.Ltmp3:
0x1a9: {  	[sflag:s17] =	ssyncset.done $0x0;
	(pc) =	sbr.rel @p0 .LBB2_10-.Ltmp3, $4  }
0x1aa: {  	[sflag:s17] =	ssyncadd.s32 $0xFFFFF000  }
0x1ab: {  	_ =	swait.ge [sflag:s17], $0x1000  }
0x1ac: {  	[sflag:s17] =	ssyncset.done $0x0  }
0x1ad: {  	[sflag:s17] =	ssyncadd.s32 $0xFFFFF000  }
0x1ae: {  	s0 =	sadd.s32 $0x3680, s28  }
0x1af: {  	[tilespmem:s26], [sflag:$0x3] =	stream.indirect.gather [hbm4b:s4+s16], $0x10, s0, s16, $0xb8;
	[tilespmem:$0x1FB80] =	vst v63  }
0x1b0: {  	s6 =	sadd.s32 $0x3780, s28  }
0x1b1: {  	[tilespmem:s29], [sflag:$0x3] =	stream.indirect.gather [hbm4b:s4+s16], $0x10, s6, s16, $0xb8;
	[tilespmem:$0x1FB80] =	vst v63  }
0x1b2: {  	_ =	swait.ge [sflag:s19], $0x1000  }
0x1b3: {  	[sflag:s19] =	ssyncset.done $0x0  }
0x1b4: {  	[sflag:s19] =	ssyncadd.s32 $0xFFFFF000  }
0x1b5: {  	_ =	swait.ge [sflag:s19], $0x1000  }
.Ltmp4:
0x1b6: {  	[sflag:s19] =	ssyncset.done $0x0;
	(pc) =	sbr.rel .LBB2_8-.Ltmp4, $4  }
0x1b7: {  	s21 =	sadd.s32 $0x3880, s28;
	[sflag:s19] =	ssyncadd.s32 $0xFFFFF000  }
0x1b8: {  	[tilespmem:s31], [sflag:$0x4] =	stream.indirect.gather [hbm4b:s4+s16], $0x10, s21, s16, $0xb8;
	[tilespmem:$0x1FB80] =	vst v63  }
0x1b9: {  	s30 =	sadd.s32 $0x3980, s28;
	s25 =	sadd.s32 $0x2000, s25  }
0x1ba: {  	[tilespmem:s3], [sflag:$0x4] =	stream.indirect.gather [hbm4b:s4+s16], $0x10, s30, s16, $0xb8;
	[tilespmem:$0x1FB80] =	vst v63  }
.LBB2_10:
0x1bb: {  	_ =	swait.ge [sflag:s19], $0x1000  }
0x1bc: {  	[sflag:s19] =	ssyncset.done $0x0  }
0x1bd: {  	[sflag:s19] =	ssyncadd.s32 $0xFFFFF000  }
0x1be: {  	_ =	swait.ge [sflag:s19], $0x1000  }
0x1bf: {  	[sflag:s19] =	ssyncset.done $0x0  }
0x1c0: {  	[sflag:s19] =	ssyncadd.s32 $0xFFFFF000  }
0x1c1: {  	s0 =	simm.s32 $0x18380;
	[bflag:$0x0] =	sbarrier.arrive $0xFFFF  }
0x1c2: {  	[tilespmem:s0], [sflag:$0x9] =	stream.linear.gather [spmem:s10], $0x2800, $0x38;
	[tilespmem:$0x1FB80] =	vst v63  }
0x1c3: {  	s23 =	sadd.s32 $0x1, s23;
	_ =	swait.ge [sflag:s9], $0x2800  }
0x1c4: {  	s25 =	sshll.u32 s23, $0x4;
	[sflag:s9] =	ssyncset.done $0x0  }
0x1c5: {  	s0 =	sand.u32 $0x3FFFFFF0, s25;
	[sflag:s9] =	ssyncadd.s32 $0xFFFFD800  }
0x1c6: {  	s25 =	simm.s32 $0x0;
	v0 =	vld [tilespmem:s0+$0x14A80]  }
0x1c7: {  	v1 =	vld [tilespmem:s25+$0x15B80]  }
0x1c8: {  	v2 =	vld [tilespmem:s25+$0x15B90]  }
0x1c9: {  	v3 =	vld [tilespmem:s25+$0x18380]  }
0x1ca: {  	v4 =	vld [tilespmem:s25+$0x18390]  }
0x1cb: {  	v5 =	vld [tilespmem:s25+$0x183A0]  }
0x1cc: {  	v7 =	vld [tilespmem:s25+$0x1AB80]  }
0x1cd: {  	v6 =	vld [tilespmem:s25+$0x183B0]  }
0x1ce: {  	v8 =	vld [tilespmem:s25+$0x1AB90]  }
0x1cf: {  	v9 =	vld [tilespmem:s25+$0x1ABA0]  }
0x1d0: {  	v10 =	vld [tilespmem:s25+$0x1ABB0]  }
0x1d1: {  	v11 =	vld [tilespmem:s25+$0x15BA0];
	v3 =	vadd.f32 v7, v3  }
0x1d2: {  	v12 =	vld [tilespmem:s25+$0x15BB0]  }
0x1d3: {  	v13 =	vld [tilespmem:s25+$0x1D380];
	v4 =	vadd.f32 v8, v4;
	v8 =	vmul.f32 v3, v1  }
0x1d4: {  	v7 =	vld [tilespmem:s25+$0x15BB0];
	v3 =	vadd.f32 v9, v5  }
0x1d5: {  	v14 =	vld [tilespmem:s25+$0x1D3A0];
	v9 =	vmul.f32 v4, v2;
	v5 =	vadd.f32 v10, v6;
	v4 =	vmul.f32 v1, v8  }
0x1d6: {  	s28 =	simm.s32 $0x40;
	v15 =	vld [tilespmem:s25+$0x1D3B0];
	v6 =	vmul.f32 v3, v11  }
0x1d7: {  	v1 =	vld [tilespmem:s28+$0x15B80];
	v3 =	vmul.f32 v2, v9;
	[tilespmem:s25+$0x1AB80] =	vst v4;
	v4 =	vmul.f32 v5, v12  }
0x1d8: {  	v16 =	vld [tilespmem:s25+$0x1D390];
	v5 =	vmul.f32 v11, v6  }
0x1d9: {  	v6 =	vmul.f32 v6, v0;
	v2 =	vld [tilespmem:s28+$0x15B90];
	[tilespmem:s25+$0x1AB90] =	vst v3;
	v7 =	vmul.f32 v7, v4  }
0x1da: {  	v3 =	vld [tilespmem:s28+$0x18380];
	[tilespmem:s25+$0x1ABA0] =	vst v5;
	v10 =	vmul.f32 v4, v0  }
0x1db: {  	v6 =	vadd.f32 v6, v14;
	v5 =	vld [tilespmem:s28+$0x18390];
	[tilespmem:s25+$0x1ABB0] =	vst v7;
	v7 =	vmul.f32 v9, v0  }
0x1dc: {  	v8 =	vmul.f32 v8, v0;
	v9 =	vadd.f32 v10, v15  }
0x1dd: {  	v4 =	vld [tilespmem:s28+$0x183A0];
	[tilespmem:s25+$0x1D3A0] =	vst v6;
	v10 =	vadd.f32 v7, v16  }
0x1de: {  	v8 =	vadd.f32 v8, v13;
	v6 =	vld [tilespmem:s28+$0x183B0];
	[tilespmem:s25+$0x1D3B0] =	vst v9  }
0x1df: {  	s30 =	simm.s32 $0x200;
	v7 =	vld [tilespmem:s28+$0x1AB80];
	[tilespmem:s25+$0x1D390] =	vst v10  }
.LBB2_11:
0x1e0: {  	p0 =	sne.s32 s30, $0x9F00;
	v9 =	vld [tilespmem:s28+$0x1AB90];
	[tilespmem:s25+$0x1D380] =	vst v8;
	s25 =	smov.u32 s28  }
0x1e1: {  	v8 =	vld [tilespmem:s25+$0x1ABA0]  }
0x1e2: {  	v10 =	vld [tilespmem:s25+$0x1ABB0]  }
0x1e3: {  	v11 =	vld [tilespmem:s25+$0x15BA0]  }
0x1e4: {  	v3 =	vadd.f32 v7, v3;
	v7 =	vld [tilespmem:s25+$0x15BB0]  }
0x1e5: {  	v5 =	vadd.f32 v9, v5;
	v9 =	vld [tilespmem:s25+$0x15BB0]  }
0x1e6: {  	v12 =	vmul.f32 v3, v1;
	v13 =	vld [tilespmem:s25+$0x1D380];
	v3 =	vadd.f32 v8, v4  }
0x1e7: {  	v4 =	vmul.f32 v5, v2;
	v5 =	vld [tilespmem:s25+$0x1D3A0];
	v6 =	vadd.f32 v10, v6  }
0x1e8: {  	v8 =	vmul.f32 v1, v12;
	v3 =	vmul.f32 v3, v11;
	v10 =	vld [tilespmem:s25+$0x1D3B0]  }
0x1e9: {  	s28 =	sshra.s32 s30, $0x2;
	v14 =	vld [tilespmem:s25+$0x1D390];
	v15 =	vmul.f32 v2, v4;
	v6 =	vmul.f32 v6, v7  }
0x1ea: {  	v1 =	vld [tilespmem:s28+$0x15B80];
	[tilespmem:s25+$0x1AB80] =	vst v8;
	v7 =	vmul.f32 v3, v0;
	v8 =	vmul.f32 v11, v3  }
0x1eb: {  	v2 =	vld [tilespmem:s28+$0x15B90];
	[tilespmem:s25+$0x1AB90] =	vst v15;
	v11 =	vmul.f32 v6, v0;
	v6 =	vmul.f32 v9, v6  }
.Ltmp5:
0x1ec: {  	v9 =	vmul.f32 v12, v0;
	v12 =	vmul.f32 v4, v0;
	v3 =	vld [tilespmem:s28+$0x18380];
	v7 =	vadd.f32 v7, v5;
	[tilespmem:s25+$0x1ABA0] =	vst v8;
	(pc) =	sbr.rel @p0 .LBB2_11-.Ltmp5, $4  }
0x1ed: {  	v5 =	vld [tilespmem:s28+$0x18390];
	v10 =	vadd.f32 v11, v10;
	[tilespmem:s25+$0x1ABB0] =	vst v6  }
0x1ee: {  	v8 =	vadd.f32 v9, v13;
	v4 =	vld [tilespmem:s28+$0x183A0];
	v9 =	vadd.f32 v12, v14;
	[tilespmem:s25+$0x1D3A0] =	vst v7  }
0x1ef: {  	v6 =	vld [tilespmem:s28+$0x183B0];
	[tilespmem:s25+$0x1D3B0] =	vst v10  }
0x1f0: {  	s30 =	sadd.s32 $0x100, s30;
	v7 =	vld [tilespmem:s28+$0x1AB80];
	[tilespmem:s25+$0x1D390] =	vst v9  }
0x1f1: {  	v9 =	vld [tilespmem:s28+$0x1AB90];
	[tilespmem:s25+$0x1D380] =	vst v8  }
0x1f2: {  	v8 =	vld [tilespmem:s28+$0x1ABA0]  }
0x1f3: {  	v10 =	vld [tilespmem:s28+$0x1ABB0]  }
0x1f4: {  	v11 =	vld [tilespmem:s28+$0x15BA0]  }
0x1f5: {  	v56 =	vld [tilespmem:s28+$0x15BB0];
	v3 =	vadd.f32 v7, v3  }
0x1f6: {  	v5 =	vadd.f32 v9, v5  }
0x1f7: {  	v3 =	vmul.f32 v3, v1;
	v4 =	vadd.f32 v8, v4  }
0x1f8: {  	v57 =	vld [tilespmem:s28+$0x15BB0];
	v6 =	vadd.f32 v10, v6;
	v5 =	vmul.f32 v5, v2  }
0x1f9: {  	v12 =	vld [tilespmem:s28+$0x1D380];
	v1 =	vmul.f32 v1, v3;
	v4 =	vmul.f32 v4, v11  }
0x1fa: {  	v13 =	vld [tilespmem:s28+$0x1D390];
	v6 =	vmul.f32 v6, v56;
	v62 =	vmul.f32 v3, v0  }
0x1fb: {  	v58 =	vld [tilespmem:s28+$0x1D3A0];
	v2 =	vmul.f32 v2, v5;
	v5 =	vmul.f32 v5, v0  }
0x1fc: {  	v59 =	vld [tilespmem:s28+$0x1D3B0];
	[tilespmem:s28+$0x1AB80] =	vst v1;
	v60 =	vmul.f32 v4, v0;
	v4 =	vmul.f32 v11, v4  }
0x1fd: {  	v61 =	vmul.f32 v6, v0;
	v6 =	vmul.f32 v57, v6;
	[tilespmem:s28+$0x1AB90] =	vst v2  }
0x1fe: {  	v0 =	vadd.f32 v62, v12;
	[tilespmem:s28+$0x1ABA0] =	vst v4  }
0x1ff: {  	v63 =	vadd.f32 v5, v13;
	[tilespmem:s28+$0x1ABB0] =	vst v6  }
0x200: {  	v1 =	vadd.f32 v60, v58;
	[tilespmem:s28+$0x1D380] =	vst v0  }
0x201: {  	v2 =	vadd.f32 v61, v59;
	[tilespmem:s28+$0x1D390] =	vst v63  }
0x202: {  	s0 =	rddreg [dreg:$0x7];
	[tilespmem:s28+$0x1D3A0] =	vst v1  }
0x203: {  	s6 =	simm.s32 $0x0;
	s21 =	simm.s32 $0x1AB80;
	p0 =	sne.s32 s23, $0xA;
	[tilespmem:s28+$0x1D3B0] =	vst v2  }
0x204: {  	[hbm4b:s0+s6] =	stream.linear.scatter [tilespmem:s21], [sflag:$0x9], $0x2800, $0x38;
	[tilespmem:$0x1FB80] =	vst v63  }
.Ltmp6:
0x205: {  	_ =	swait.ge [sflag:s9], $0x2800;
	(pc) =	sbr.rel @p0 .LBB2_7-.Ltmp6, $3  }
0x206: {  	[sflag:s9] =	ssyncset.done $0x0  }
0x207: {  	[sflag:s9] =	ssyncadd.s32 $0xFFFFD800  }
0x208: {  	[bflag:$0x0] =	sbarrier.arrive $0xFFFF;
	_ =	sdelay $0x1  }
0x209: {  	s0 =	rddreg [dreg:$0x5]  }
0x20a: {  	s1 =	rddreg [dreg:$0x6];
	s29 =	simm.s32 $0x0  }
0x20b: {  	s2 =	simm.s32 $0x1D380;
	s30 =	simm.s32 $0x9;
	s0 =	sadd.s32 s0, s1  }
0x20c: {  	[hbm4b:s0+s29] =	stream.linear.scatter [tilespmem:s2], [sflag:$0x9], $0x2800, $0x38;
	[tilespmem:$0x1FB80] =	vst v63  }
0x20d: {  	_ =	swait.ge [sflag:s30], $0x2800  }
0x20e: {  	[sflag:s30] =	ssyncset.done $0x0  }
0x20f: {  	[sflag:s30] =	ssyncadd.s32 $0xFFFFD800  }
0x210: {  	_ =	sfence.sel $0x180000  }
0x211: {  	[bflag:$0x0] =	sbarrier.arrive $0xFFFF  }
0x212: {  	_ =	strace $0x90000047  }
0x213: {  	s31 =	stileid.u32;
	[bflag:$0x2] =	sbarrier.arrive $0xFFFF  }
0x214: {  	p0 =	sne.s32 s31, $0x0;
	s0 =	rddreg [dreg:$0x4]  }
0x215: {  	s0 =	sadd.s32 @!p0 $0x100000, s0  }
0x216: {  	[sflag:s0] =	ssyncadd.tile.s32 @!p0 $0x1;
	_ =	shalt  }
.Lfunc_end2:
_tile_overlayer_lowered:
.L_overlay_start_2:
0x217: {  	(tag) =	ssettag $0x2  }
0x218: {  	s0 =	rddreg [dreg:$0x0];
	s2 =	stileid.u32  }
0x219: {  	s1 =	rddreg [dreg:$0x1];
	p0 =	sne.s32 s2, $0x0  }
0x21a: {  	s3 =	rddreg [dreg:$0x2];
	[bflag:$0x3] =	sbarrier.arrive $0xFFFF;
	s2 =	simm.s32 @!p0 $0x1C09  }
0x21b: {  	[timem:s3], [sflag:s2] =	dma.local @!p0 [hbm:s0], s1  }
0x21c: {  	s0 =	simm.s32 @!p0 $0x9  }
0x21d: {  	_ =	swait.ge @!p0 [sflag:s0], s1  }
0x21e: {  	s1 =	ssub.s32 @!p0 $0x0, s1;
	[sflag:s0] =	ssyncset.done @!p0 $0x0  }
0x21f: {  	[sflag:s0] =	ssyncadd.s32 @!p0 s1  }
0x220: {  	[bflag:$0x3] =	sbarrier.arrive $0xFFFF  }
0x221: {  	_ =	shalt  }

</sc_bundles>
